<compile_context>
chip_gen: v7x
topology: tpu7x:2x2x1
jax: 0.10.2.dev20260603
libtpu: 0.0.44.dev20260713+nightly
codegen_flags: <defaults>
</compile_context>

<pallas_src>
import functools

import jax
import jax.numpy as jnp
from jax import lax
from jax.experimental import pallas as pl
from jax.experimental.pallas import tpu as pltpu
from jax.experimental.pallas import tpu_sc as plsc

N = 10000
NP = 10240
D = 128
LANE = 16
NTILES = 32
FPT = D // NTILES
CHUNK = 2000



def _pre_body(xT_ref, w_ref, asv_ref, adv_ref,
              hT_ref, as_ref, ad_ref, mx_ref, exs_ref):
    xT = xT_ref[...]
    w = w_ref[...]
    hT = lax.dot_general(w, xT, (((0,), (0,)), ((), ())),
                         preferred_element_type=jnp.float32)
    hT_ref[...] = hT
    a_s = jnp.sum(hT * asv_ref[...], axis=0, keepdims=True)
    a_d = jnp.sum(hT * adv_ref[...], axis=0, keepdims=True)
    as_ref[...] = a_s
    ad_ref[...] = a_d
    mx = jnp.max(a_s)
    mx_ref[...] = jnp.full((8, 128), mx, jnp.float32)
    m = jnp.maximum(a_d + mx, 0.0)
    z = a_s + a_d
    e = jnp.maximum(z, 0.2 * z)
    exs_ref[...] = jnp.exp(e - m)


_pre_call = pl.pallas_call(
    _pre_body,
    out_shape=[
        jax.ShapeDtypeStruct((D, NP), jnp.float32),
        jax.ShapeDtypeStruct((1, NP), jnp.float32),
        jax.ShapeDtypeStruct((1, NP), jnp.float32),
        jax.ShapeDtypeStruct((8, 128), jnp.float32),
        jax.ShapeDtypeStruct((1, NP), jnp.float32),
    ],
)


def _post_body(hT_ref, acc_ref, den_ref, exs_ref, b_ref, g_ref, be_ref, o_ref):
    exs = exs_ref[...]
    den = den_ref[...] + exs
    num = acc_ref[...] + exs * hT_ref[...]
    o = num / (den + 1e-16) + b_ref[...]
    mask = lax.broadcasted_iota(jnp.int32, (1, NP), 1) < N
    om = jnp.where(mask, o, 0.0)
    mu = jnp.sum(om, axis=1, keepdims=True) * (1.0 / N)
    dlt = jnp.where(mask, o - mu, 0.0)
    var = jnp.sum(dlt * dlt, axis=1, keepdims=True) * (1.0 / N)
    xn = g_ref[...] * (o - mu) * lax.rsqrt(var + 1e-5) + be_ref[...]
    o_ref[...] = jnp.where(mask, jnp.maximum(xn, 0.0), 0.0)


_post_call = pl.pallas_call(
    _post_body,
    out_shape=[jax.ShapeDtypeStruct((D, NP), jnp.float32)],
)


def _mlp_body(xT_ref, w1_ref, b1_ref, w2_ref, b2_ref, o_ref):
    xT = xT_ref[...]
    w1 = w1_ref[...]
    t = jnp.dot(w1, xT, preferred_element_type=jnp.float32) + b1_ref[...]
    t = jnp.maximum(t, 0.0)
    t = jnp.dot(w1, t, preferred_element_type=jnp.float32) + b1_ref[...]
    t = jnp.maximum(t, 0.0)
    o_ref[...] = (jnp.dot(w2_ref[...], t, preferred_element_type=jnp.float32)
                  + b2_ref[...])


_mlp_call = pl.pallas_call(
    _mlp_body,
    out_shape=[jax.ShapeDtypeStruct((D, NP), jnp.float32)],
)



def _sc_body(src_h, dst_h, as_h, ad_h, mx_h, hT_h,
             acc_h, den_h,
             as_v, ad_v, mx_v, h0, h1, h2, h3, a0, a1, a2, a3, den_v,
             srcb, dstb, n_edges):
    cid = lax.axis_index("c")
    sid = lax.axis_index("s")
    wid = sid * 2 + cid

    pltpu.sync_copy(as_h, as_v)
    pltpu.sync_copy(ad_h, ad_v)
    pltpu.sync_copy(mx_h, mx_v)
    hrows = (h0, h1, h2, h3)
    arows = (a0, a1, a2, a3)
    for k in range(FPT):
        pltpu.sync_copy(hT_h.at[wid * FPT + k], hrows[k])

    zeros = jnp.zeros((LANE,), jnp.float32)

    def zbody(i, _):
        for av in arows:
            av[pl.ds(i * LANE, LANE)] = zeros
        den_v[pl.ds(i * LANE, LANE)] = zeros
        return 0

    lax.fori_loop(0, NP // LANE, zbody, 0)

    mx16 = mx_v[...]
    nchunks = n_edges // CHUNK
    ngroups = CHUNK // LANE

    def chunk(c, _):
        pltpu.sync_copy(src_h.at[pl.ds(c * CHUNK, CHUNK)], srcb)
        pltpu.sync_copy(dst_h.at[pl.ds(c * CHUNK, CHUNK)], dstb)

        def grp(g, _):
            s16 = srcb[pl.ds(g * LANE, LANE)]
            d16 = dstb[pl.ds(g * LANE, LANE)]
            sA = plsc.load_gather(as_v, [s16])
            aD = plsc.load_gather(ad_v, [d16])
            z = sA + aD
            e = jnp.maximum(z, 0.2 * z)
            m = jnp.maximum(aD + mx16, 0.0)
            ex = jnp.exp(e - m)
            plsc.addupdate_scatter(den_v, [d16], ex)
            for hv, av in zip(hrows, arows):
                v = plsc.load_gather(hv, [s16]) * ex
                plsc.addupdate_scatter(av, [d16], v)
            return 0

        lax.fori_loop(0, ngroups, grp, 0)
        return 0

    lax.fori_loop(0, nchunks, chunk, 0)

    for k in range(FPT):
        pltpu.sync_copy(arows[k], acc_h.at[wid * FPT + k])

    @pl.when(wid == 0)
    def _():
        pltpu.sync_copy(den_v, den_h)


def _make_sc_call(n_edges):
    body = functools.partial(_sc_body, n_edges=n_edges)
    return pl.kernel(
        body,
        out_type=[
            jax.ShapeDtypeStruct((D, NP), jnp.float32),
            jax.ShapeDtypeStruct((NP,), jnp.float32),
        ],
        mesh=plsc.VectorSubcoreMesh(core_axis_name="c", subcore_axis_name="s"),
        compiler_params=pltpu.CompilerParams(needs_layout_passes=False),
        scratch_types=[
            pltpu.VMEM((NP,), jnp.float32),
            pltpu.VMEM((NP,), jnp.float32),
            pltpu.VMEM((LANE,), jnp.float32),
            pltpu.VMEM((NP,), jnp.float32),
            pltpu.VMEM((NP,), jnp.float32),
            pltpu.VMEM((NP,), jnp.float32),
            pltpu.VMEM((NP,), jnp.float32),
            pltpu.VMEM((NP,), jnp.float32),
            pltpu.VMEM((NP,), jnp.float32),
            pltpu.VMEM((NP,), jnp.float32),
            pltpu.VMEM((NP,), jnp.float32),
            pltpu.VMEM((NP,), jnp.float32),
            pltpu.VMEM((CHUNK,), jnp.int32),
            pltpu.VMEM((CHUNK,), jnp.int32),
        ],
    )



@jax.jit
def kernel(x, edge_index, params):
    src = edge_index[0]
    dst = edge_index[1]
    n_edges = src.shape[0]
    sc_call = _make_sc_call(n_edges)

    xT = jnp.pad(x.T, ((0, 0), (0, NP - x.shape[0])))
    for conv, bn in zip(params['convs'], params['bns']):
        asv = conv['att_src'].reshape(D, 1)
        adv = conv['att_dst'].reshape(D, 1)
        hT, a_s, a_d, mx, exs = _pre_call(xT, conv['W'], asv, adv)
        accT, den = sc_call(src, dst, a_s.reshape(NP), a_d.reshape(NP),
                            mx[0, :LANE], hT)
        xT = _post_call(hT, accT, den.reshape(1, NP), exs,
                        conv['bias'].reshape(D, 1),
                        bn['gamma'].reshape(D, 1),
                        bn['beta'].reshape(D, 1))[0]
    yT = _mlp_call(xT, params['W1'], params['b1'].reshape(D, 1),
                   params['W2'], params['b2'].reshape(D, 1))[0]
    return yT[:, :N].T

# --- scband reference (transcript-rebuilt; emitter-appended) ---
"""Pipeline reference for scband-gat-77386720739612 (READ-ONLY COPY).

The authoritative reference and input builder live on the scoring server;
editing this copy changes nothing except your own understanding.
"""

import jax, jax.numpy as jnp
import numpy as np

N = 10000
E = 320000
D = 128
NUM_LAYERS = 3


def setup_inputs(seed: int = 0) -> dict:
    key = jax.random.key(seed)
    ks = jax.random.split(key, 4 * NUM_LAYERS + 6)
    x = jax.random.normal(ks[0], (N, D), dtype=jnp.float32)
    edge_index = jax.random.randint(ks[1], (2, E), 0, N, dtype=jnp.int32)
    s = 1.0 / np.sqrt(D)
    convs = []
    bns = []
    for i in range(NUM_LAYERS):
        k0, k1, k2 = ks[2 + 3 * i], ks[3 + 3 * i], ks[4 + 3 * i]
        convs.append({
            'W': jax.random.normal(k0, (D, D), dtype=jnp.float32) * s,
            'att_src': jax.random.normal(k1, (D,), dtype=jnp.float32) * s,
            'att_dst': jax.random.normal(k2, (D,), dtype=jnp.float32) * s,
            'bias': jnp.zeros((D,), dtype=jnp.float32),
        })
        bns.append({'gamma': jnp.ones((D,), dtype=jnp.float32), 'beta': jnp.zeros((D,), dtype=jnp.float32)})
    params = {
        'convs': convs,
        'bns': bns,
        'W1': jax.random.normal(ks[-4], (D, D), dtype=jnp.float32) * s,
        'b1': jnp.zeros((D,), dtype=jnp.float32),
        'W2': jax.random.normal(ks[-3], (D, D), dtype=jnp.float32) * s,
        'b2': jnp.zeros((D,), dtype=jnp.float32),
    }
    return {'x': x, 'edge_index': edge_index, 'params': params}


def _gat_conv(x, edge_index, W, att_src, att_dst, bias):
    # PyG-style GATConv, heads=1, add_self_loops=True
    n = x.shape[0]
    loop = jnp.arange(n, dtype=edge_index.dtype)
    src = jnp.concatenate([edge_index[0], loop])
    dst = jnp.concatenate([edge_index[1], loop])
    h = x @ W
    a_s = (h * att_src).sum(-1)
    a_d = (h * att_dst).sum(-1)
    e = jax.nn.leaky_relu(a_s[src] + a_d[dst], negative_slope=0.2)
    e_max = jax.lax.stop_gradient(jax.ops.segment_max(e, dst, num_segments=n))
    ex = jnp.exp(e - e_max[dst])
    denom = jax.ops.segment_sum(ex, dst, num_segments=n)
    alpha = ex / (denom[dst] + 1e-16)
    out = jax.ops.segment_sum(alpha[:, None] * h[src], dst, num_segments=n)
    return out + bias


def _batch_norm(x, gamma, beta):
    m = x.mean(0)
    v = x.var(0)
    return gamma * (x - m) * jax.lax.rsqrt(v + 1e-5) + beta


def _forward(x, params, edge_index):
    for conv, bn in zip(params['convs'], params['bns']):
        x = _gat_conv(x, edge_index, conv['W'], conv['att_src'], conv['att_dst'], conv['bias'])
        x = _batch_norm(x, bn['gamma'], bn['beta'])
        x = jax.nn.relu(x)
    x = jax.nn.relu(x @ params['W1'].T + params['b1'])
    x = jax.nn.relu(x @ params['W1'].T + params['b1'])
    return x @ params['W2'].T + params['b2']


def reference(x, edge_index, params):
    return _forward(x, params, edge_index)

if __name__ == "__main__":
    import jax
    _d = setup_inputs()
    print(jax.jit(kernel)(*tuple(_d.values())))

</pallas_src>

<mosaic_0001>
#map = affine_map<(d0, d1) -> (0)>
#map1 = affine_map<(d0, d1) -> (0, 0)>
module attributes {stable_mosaic.version = 14 : i64} {
  func.func @_sc_body(%arg0: i32, %arg1: i32, %arg2: memref<320000xi32, #tpu.memory_space<hbm>>, %arg3: memref<320000xi32, #tpu.memory_space<hbm>>, %arg4: memref<10240xf32, #tpu.memory_space<hbm>>, %arg5: memref<10240xf32, #tpu.memory_space<hbm>>, %arg6: memref<16xf32, #tpu.memory_space<hbm>>, %arg7: memref<128x10240xf32, #tpu.memory_space<hbm>>, %arg8: memref<128x10240xf32, #tpu.memory_space<hbm>>, %arg9: memref<10240xf32, #tpu.memory_space<hbm>>, %arg10: memref<10240xf32, #tpu.memory_space<vmem>>, %arg11: memref<10240xf32, #tpu.memory_space<vmem>>, %arg12: memref<16xf32, #tpu.memory_space<vmem>>, %arg13: memref<10240xf32, #tpu.memory_space<vmem>>, %arg14: memref<10240xf32, #tpu.memory_space<vmem>>, %arg15: memref<10240xf32, #tpu.memory_space<vmem>>, %arg16: memref<10240xf32, #tpu.memory_space<vmem>>, %arg17: memref<10240xf32, #tpu.memory_space<vmem>>, %arg18: memref<10240xf32, #tpu.memory_space<vmem>>, %arg19: memref<10240xf32, #tpu.memory_space<vmem>>, %arg20: memref<10240xf32, #tpu.memory_space<vmem>>, %arg21: memref<10240xf32, #tpu.memory_space<vmem>>, %arg22: memref<2000xi32, #tpu.memory_space<vmem>>, %arg23: memref<2000xi32, #tpu.memory_space<vmem>>) attributes {dimension_semantics = [#tpu.dimension_semantics<core_parallel>, #tpu.dimension_semantics<subcore_parallel>], iteration_bounds = array<i64: 2, 16>, scalar_prefetch = 0 : i64, scratch_operands = 14 : i64, tpu.core_type = #tpu.core_type<sc_vector_subcore>, window_params = [{transform_indices = #map}, {transform_indices = #map}, {transform_indices = #map}, {transform_indices = #map}, {transform_indices = #map}, {transform_indices = #map1}, {transform_indices = #map1}, {transform_indices = #map}]} {
    %mul3A = arith.constant 2 : i32
    %mul3A_0 = arith.muli %arg1, %mul3A : i32
    %add3A = arith.addi %mul3A_0, %arg0 : i32
    "tpu.region"() ({
      %run_scoped3A = tpu.sem_alloc : memref<!tpu.dma_semaphore, #tpu.memory_space<semaphore_mem>>
      tpu.enqueue_dma source(%arg4 : memref<10240xf32, #tpu.memory_space<hbm>>) target(%arg10 : memref<10240xf32, #tpu.memory_space<vmem>>) target_semaphore(%run_scoped3A : memref<!tpu.dma_semaphore, #tpu.memory_space<semaphore_mem>>)
      tpu.wait_dma2 semaphore(%run_scoped3A : memref<!tpu.dma_semaphore, #tpu.memory_space<semaphore_mem>>) src(%arg4 : memref<10240xf32, #tpu.memory_space<hbm>>) dst(%arg10 : memref<10240xf32, #tpu.memory_space<vmem>>)
      tpu.yield
    }) : () -> ()
    "tpu.region"() ({
      %run_scoped3A = tpu.sem_alloc : memref<!tpu.dma_semaphore, #tpu.memory_space<semaphore_mem>>
      tpu.enqueue_dma source(%arg5 : memref<10240xf32, #tpu.memory_space<hbm>>) target(%arg11 : memref<10240xf32, #tpu.memory_space<vmem>>) target_semaphore(%run_scoped3A : memref<!tpu.dma_semaphore, #tpu.memory_space<semaphore_mem>>)
      tpu.wait_dma2 semaphore(%run_scoped3A : memref<!tpu.dma_semaphore, #tpu.memory_space<semaphore_mem>>) src(%arg5 : memref<10240xf32, #tpu.memory_space<hbm>>) dst(%arg11 : memref<10240xf32, #tpu.memory_space<vmem>>)
      tpu.yield
    }) : () -> ()
    "tpu.region"() ({
      %run_scoped3A = tpu.sem_alloc : memref<!tpu.dma_semaphore, #tpu.memory_space<semaphore_mem>>
      tpu.enqueue_dma source(%arg6 : memref<16xf32, #tpu.memory_space<hbm>>) target(%arg12 : memref<16xf32, #tpu.memory_space<vmem>>) target_semaphore(%run_scoped3A : memref<!tpu.dma_semaphore, #tpu.memory_space<semaphore_mem>>)
      tpu.wait_dma2 semaphore(%run_scoped3A : memref<!tpu.dma_semaphore, #tpu.memory_space<semaphore_mem>>) src(%arg6 : memref<16xf32, #tpu.memory_space<hbm>>) dst(%arg12 : memref<16xf32, #tpu.memory_space<vmem>>)
      tpu.yield
    }) : () -> ()
    %mul3A_1 = arith.constant 4 : i32
    %mul3A_2 = arith.muli %add3A, %mul3A_1 : i32
    %add3A_3 = arith.constant 0 : i32
    %add3A_4 = arith.addi %mul3A_2, %add3A_3 : i32
    "tpu.region"() ({
      %run_scoped3A = tpu.sem_alloc : memref<!tpu.dma_semaphore, #tpu.memory_space<semaphore_mem>>
      %dma_start3A = arith.constant 0 : i32
      %dma_start3A_50 = tpu.memref_slice %arg7[%add3A_4, %dma_start3A] : memref<128x10240xf32, #tpu.memory_space<hbm>> -> memref<1x10240xf32, #tpu.memory_space<hbm>>
      %dma_start3A_51 = tpu.memref_squeeze %dma_start3A_50 : memref<1x10240xf32, #tpu.memory_space<hbm>> -> memref<10240xf32, #tpu.memory_space<hbm>>
      %dma_start3A_52 = arith.constant 0 : i32
      %dma_start3A_53 = tpu.memref_slice %arg7[%add3A_4, %dma_start3A_52] : memref<128x10240xf32, #tpu.memory_space<hbm>> -> memref<1x10240xf32, #tpu.memory_space<hbm>>
      %dma_start3A_54 = tpu.memref_squeeze %dma_start3A_53 : memref<1x10240xf32, #tpu.memory_space<hbm>> -> memref<10240xf32, #tpu.memory_space<hbm>>
      tpu.enqueue_dma source(%dma_start3A_54 : memref<10240xf32, #tpu.memory_space<hbm>>) target(%arg13 : memref<10240xf32, #tpu.memory_space<vmem>>) target_semaphore(%run_scoped3A : memref<!tpu.dma_semaphore, #tpu.memory_space<semaphore_mem>>)
      %dma_wait3A = arith.constant 0 : i32
      %dma_wait3A_55 = tpu.memref_slice %arg7[%add3A_4, %dma_wait3A] : memref<128x10240xf32, #tpu.memory_space<hbm>> -> memref<1x10240xf32, #tpu.memory_space<hbm>>
      %dma_wait3A_56 = tpu.memref_squeeze %dma_wait3A_55 : memref<1x10240xf32, #tpu.memory_space<hbm>> -> memref<10240xf32, #tpu.memory_space<hbm>>
      %dma_wait3A_57 = arith.constant 0 : i32
      %dma_wait3A_58 = tpu.memref_slice %arg7[%add3A_4, %dma_wait3A_57] : memref<128x10240xf32, #tpu.memory_space<hbm>> -> memref<1x10240xf32, #tpu.memory_space<hbm>>
      %dma_wait3A_59 = tpu.memref_squeeze %dma_wait3A_58 : memref<1x10240xf32, #tpu.memory_space<hbm>> -> memref<10240xf32, #tpu.memory_space<hbm>>
      tpu.wait_dma2 semaphore(%run_scoped3A : memref<!tpu.dma_semaphore, #tpu.memory_space<semaphore_mem>>) src(%dma_wait3A_59 : memref<10240xf32, #tpu.memory_space<hbm>>) dst(%arg13 : memref<10240xf32, #tpu.memory_space<vmem>>)
      tpu.yield
    }) : () -> ()
    %mul3A_5 = arith.constant 4 : i32
    %mul3A_6 = arith.muli %add3A, %mul3A_5 : i32
    %add3A_7 = arith.constant 1 : i32
    %add3A_8 = arith.addi %mul3A_6, %add3A_7 : i32
    "tpu.region"() ({
      %run_scoped3A = tpu.sem_alloc : memref<!tpu.dma_semaphore, #tpu.memory_space<semaphore_mem>>
      %dma_start3A = arith.constant 0 : i32
      %dma_start3A_50 = tpu.memref_slice %arg7[%add3A_8, %dma_start3A] : memref<128x10240xf32, #tpu.memory_space<hbm>> -> memref<1x10240xf32, #tpu.memory_space<hbm>>
      %dma_start3A_51 = tpu.memref_squeeze %dma_start3A_50 : memref<1x10240xf32, #tpu.memory_space<hbm>> -> memref<10240xf32, #tpu.memory_space<hbm>>
      %dma_start3A_52 = arith.constant 0 : i32
      %dma_start3A_53 = tpu.memref_slice %arg7[%add3A_8, %dma_start3A_52] : memref<128x10240xf32, #tpu.memory_space<hbm>> -> memref<1x10240xf32, #tpu.memory_space<hbm>>
      %dma_start3A_54 = tpu.memref_squeeze %dma_start3A_53 : memref<1x10240xf32, #tpu.memory_space<hbm>> -> memref<10240xf32, #tpu.memory_space<hbm>>
      tpu.enqueue_dma source(%dma_start3A_54 : memref<10240xf32, #tpu.memory_space<hbm>>) target(%arg14 : memref<10240xf32, #tpu.memory_space<vmem>>) target_semaphore(%run_scoped3A : memref<!tpu.dma_semaphore, #tpu.memory_space<semaphore_mem>>)
      %dma_wait3A = arith.constant 0 : i32
      %dma_wait3A_55 = tpu.memref_slice %arg7[%add3A_8, %dma_wait3A] : memref<128x10240xf32, #tpu.memory_space<hbm>> -> memref<1x10240xf32, #tpu.memory_space<hbm>>
      %dma_wait3A_56 = tpu.memref_squeeze %dma_wait3A_55 : memref<1x10240xf32, #tpu.memory_space<hbm>> -> memref<10240xf32, #tpu.memory_space<hbm>>
      %dma_wait3A_57 = arith.constant 0 : i32
      %dma_wait3A_58 = tpu.memref_slice %arg7[%add3A_8, %dma_wait3A_57] : memref<128x10240xf32, #tpu.memory_space<hbm>> -> memref<1x10240xf32, #tpu.memory_space<hbm>>
      %dma_wait3A_59 = tpu.memref_squeeze %dma_wait3A_58 : memref<1x10240xf32, #tpu.memory_space<hbm>> -> memref<10240xf32, #tpu.memory_space<hbm>>
      tpu.wait_dma2 semaphore(%run_scoped3A : memref<!tpu.dma_semaphore, #tpu.memory_space<semaphore_mem>>) src(%dma_wait3A_59 : memref<10240xf32, #tpu.memory_space<hbm>>) dst(%arg14 : memref<10240xf32, #tpu.memory_space<vmem>>)
      tpu.yield
    }) : () -> ()
    %mul3A_9 = arith.constant 4 : i32
    %mul3A_10 = arith.muli %add3A, %mul3A_9 : i32
    %add3A_11 = arith.constant 2 : i32
    %add3A_12 = arith.addi %mul3A_10, %add3A_11 : i32
    "tpu.region"() ({
      %run_scoped3A = tpu.sem_alloc : memref<!tpu.dma_semaphore, #tpu.memory_space<semaphore_mem>>
      %dma_start3A = arith.constant 0 : i32
      %dma_start3A_50 = tpu.memref_slice %arg7[%add3A_12, %dma_start3A] : memref<128x10240xf32, #tpu.memory_space<hbm>> -> memref<1x10240xf32, #tpu.memory_space<hbm>>
      %dma_start3A_51 = tpu.memref_squeeze %dma_start3A_50 : memref<1x10240xf32, #tpu.memory_space<hbm>> -> memref<10240xf32, #tpu.memory_space<hbm>>
      %dma_start3A_52 = arith.constant 0 : i32
      %dma_start3A_53 = tpu.memref_slice %arg7[%add3A_12, %dma_start3A_52] : memref<128x10240xf32, #tpu.memory_space<hbm>> -> memref<1x10240xf32, #tpu.memory_space<hbm>>
      %dma_start3A_54 = tpu.memref_squeeze %dma_start3A_53 : memref<1x10240xf32, #tpu.memory_space<hbm>> -> memref<10240xf32, #tpu.memory_space<hbm>>
      tpu.enqueue_dma source(%dma_start3A_54 : memref<10240xf32, #tpu.memory_space<hbm>>) target(%arg15 : memref<10240xf32, #tpu.memory_space<vmem>>) target_semaphore(%run_scoped3A : memref<!tpu.dma_semaphore, #tpu.memory_space<semaphore_mem>>)
      %dma_wait3A = arith.constant 0 : i32
      %dma_wait3A_55 = tpu.memref_slice %arg7[%add3A_12, %dma_wait3A] : memref<128x10240xf32, #tpu.memory_space<hbm>> -> memref<1x10240xf32, #tpu.memory_space<hbm>>
      %dma_wait3A_56 = tpu.memref_squeeze %dma_wait3A_55 : memref<1x10240xf32, #tpu.memory_space<hbm>> -> memref<10240xf32, #tpu.memory_space<hbm>>
      %dma_wait3A_57 = arith.constant 0 : i32
      %dma_wait3A_58 = tpu.memref_slice %arg7[%add3A_12, %dma_wait3A_57] : memref<128x10240xf32, #tpu.memory_space<hbm>> -> memref<1x10240xf32, #tpu.memory_space<hbm>>
      %dma_wait3A_59 = tpu.memref_squeeze %dma_wait3A_58 : memref<1x10240xf32, #tpu.memory_space<hbm>> -> memref<10240xf32, #tpu.memory_space<hbm>>
      tpu.wait_dma2 semaphore(%run_scoped3A : memref<!tpu.dma_semaphore, #tpu.memory_space<semaphore_mem>>) src(%dma_wait3A_59 : memref<10240xf32, #tpu.memory_space<hbm>>) dst(%arg15 : memref<10240xf32, #tpu.memory_space<vmem>>)
      tpu.yield
    }) : () -> ()
    %mul3A_13 = arith.constant 4 : i32
    %mul3A_14 = arith.muli %add3A, %mul3A_13 : i32
    %add3A_15 = arith.constant 3 : i32
    %add3A_16 = arith.addi %mul3A_14, %add3A_15 : i32
    "tpu.region"() ({
      %run_scoped3A = tpu.sem_alloc : memref<!tpu.dma_semaphore, #tpu.memory_space<semaphore_mem>>
      %dma_start3A = arith.constant 0 : i32
      %dma_start3A_50 = tpu.memref_slice %arg7[%add3A_16, %dma_start3A] : memref<128x10240xf32, #tpu.memory_space<hbm>> -> memref<1x10240xf32, #tpu.memory_space<hbm>>
      %dma_start3A_51 = tpu.memref_squeeze %dma_start3A_50 : memref<1x10240xf32, #tpu.memory_space<hbm>> -> memref<10240xf32, #tpu.memory_space<hbm>>
      %dma_start3A_52 = arith.constant 0 : i32
      %dma_start3A_53 = tpu.memref_slice %arg7[%add3A_16, %dma_start3A_52] : memref<128x10240xf32, #tpu.memory_space<hbm>> -> memref<1x10240xf32, #tpu.memory_space<hbm>>
      %dma_start3A_54 = tpu.memref_squeeze %dma_start3A_53 : memref<1x10240xf32, #tpu.memory_space<hbm>> -> memref<10240xf32, #tpu.memory_space<hbm>>
      tpu.enqueue_dma source(%dma_start3A_54 : memref<10240xf32, #tpu.memory_space<hbm>>) target(%arg16 : memref<10240xf32, #tpu.memory_space<vmem>>) target_semaphore(%run_scoped3A : memref<!tpu.dma_semaphore, #tpu.memory_space<semaphore_mem>>)
      %dma_wait3A = arith.constant 0 : i32
      %dma_wait3A_55 = tpu.memref_slice %arg7[%add3A_16, %dma_wait3A] : memref<128x10240xf32, #tpu.memory_space<hbm>> -> memref<1x10240xf32, #tpu.memory_space<hbm>>
      %dma_wait3A_56 = tpu.memref_squeeze %dma_wait3A_55 : memref<1x10240xf32, #tpu.memory_space<hbm>> -> memref<10240xf32, #tpu.memory_space<hbm>>
      %dma_wait3A_57 = arith.constant 0 : i32
      %dma_wait3A_58 = tpu.memref_slice %arg7[%add3A_16, %dma_wait3A_57] : memref<128x10240xf32, #tpu.memory_space<hbm>> -> memref<1x10240xf32, #tpu.memory_space<hbm>>
      %dma_wait3A_59 = tpu.memref_squeeze %dma_wait3A_58 : memref<1x10240xf32, #tpu.memory_space<hbm>> -> memref<10240xf32, #tpu.memory_space<hbm>>
      tpu.wait_dma2 semaphore(%run_scoped3A : memref<!tpu.dma_semaphore, #tpu.memory_space<semaphore_mem>>) src(%dma_wait3A_59 : memref<10240xf32, #tpu.memory_space<hbm>>) dst(%arg16 : memref<10240xf32, #tpu.memory_space<vmem>>)
      tpu.yield
    }) : () -> ()
    %broadcast_in_dim3A = arith.constant 0.000000e+00 : f32
    %broadcast_in_dim3A_17 = vector.broadcast %broadcast_in_dim3A : f32 to vector<16xf32>
    %scan3A = arith.constant 0 : i32
    %scan3A_18 = arith.constant 0 : i32
    %scan3A_19 = arith.constant 640 : i32
    %scan3A_20 = arith.addi %scan3A_18, %scan3A_19 : i32
    %scan3A_21 = arith.constant 1 : i32
    %scan3A_22 = scf.for %scan3A_50 = %scan3A_18 to %scan3A_20 step %scan3A_21 iter_args(%scan3A_51 = %scan3A) -> (i32)  : i32 {
      %mul3A_52 = arith.constant 16 : i32
      %mul3A_53 = arith.muli %scan3A_50, %mul3A_52 : i32
      %swap3A = arith.index_cast %mul3A_53 : i32 to index
      %swap3A_54 = tpu.vector_load %arg17[%swap3A] {strides = array<i32>} : memref<10240xf32, #tpu.memory_space<vmem>>, vector<16xf32>,
      tpu.vector_store %arg17[%swap3A], %broadcast_in_dim3A_17 {strides = array<i32>} : memref<10240xf32, #tpu.memory_space<vmem>>, vector<16xf32>,
      %mul3A_55 = arith.constant 16 : i32
      %mul3A_56 = arith.muli %scan3A_50, %mul3A_55 : i32
      %swap3A_57 = arith.index_cast %mul3A_56 : i32 to index
      %swap3A_58 = tpu.vector_load %arg18[%swap3A_57] {strides = array<i32>} : memref<10240xf32, #tpu.memory_space<vmem>>, vector<16xf32>,
      tpu.vector_store %arg18[%swap3A_57], %broadcast_in_dim3A_17 {strides = array<i32>} : memref<10240xf32, #tpu.memory_space<vmem>>, vector<16xf32>,
      %mul3A_59 = arith.constant 16 : i32
      %mul3A_60 = arith.muli %scan3A_50, %mul3A_59 : i32
      %swap3A_61 = arith.index_cast %mul3A_60 : i32 to index
      %swap3A_62 = tpu.vector_load %arg19[%swap3A_61] {strides = array<i32>} : memref<10240xf32, #tpu.memory_space<vmem>>, vector<16xf32>,
      tpu.vector_store %arg19[%swap3A_61], %broadcast_in_dim3A_17 {strides = array<i32>} : memref<10240xf32, #tpu.memory_space<vmem>>, vector<16xf32>,
      %mul3A_63 = arith.constant 16 : i32
      %mul3A_64 = arith.muli %scan3A_50, %mul3A_63 : i32
      %swap3A_65 = arith.index_cast %mul3A_64 : i32 to index
      %swap3A_66 = tpu.vector_load %arg20[%swap3A_65] {strides = array<i32>} : memref<10240xf32, #tpu.memory_space<vmem>>, vector<16xf32>,
      tpu.vector_store %arg20[%swap3A_65], %broadcast_in_dim3A_17 {strides = array<i32>} : memref<10240xf32, #tpu.memory_space<vmem>>, vector<16xf32>,
      %mul3A_67 = arith.constant 16 : i32
      %mul3A_68 = arith.muli %scan3A_50, %mul3A_67 : i32
      %swap3A_69 = arith.index_cast %mul3A_68 : i32 to index
      %swap3A_70 = tpu.vector_load %arg21[%swap3A_69] {strides = array<i32>} : memref<10240xf32, #tpu.memory_space<vmem>>, vector<16xf32>,
      tpu.vector_store %arg21[%swap3A_69], %broadcast_in_dim3A_17 {strides = array<i32>} : memref<10240xf32, #tpu.memory_space<vmem>>, vector<16xf32>,
      %scan3A_71 = arith.constant 0 : i32
      scf.yield %scan3A_71 : i32
    }
    %scan3A_23 = arith.constant 640 : i32
    %get3A = arith.constant 0 : index
    %get3A_24 = tpu.vector_load %arg12[%get3A] {strides = array<i32>} : memref<16xf32, #tpu.memory_space<vmem>>, vector<16xf32>,
    %scan3A_25 = arith.constant 0 : i32
    %scan3A_26 = arith.constant 0 : i32
    %scan3A_27 = arith.constant 160 : i32
    %scan3A_28 = arith.addi %scan3A_26, %scan3A_27 : i32
    %scan3A_29 = arith.constant 1 : i32
    %scan3A_30 = scf.for %scan3A_50 = %scan3A_26 to %scan3A_28 step %scan3A_29 iter_args(%scan3A_51 = %scan3A_25) -> (i32)  : i32 {
      %mul3A_52 = arith.constant 2000 : i32
      %mul3A_53 = arith.muli %scan3A_50, %mul3A_52 : i32
      "tpu.region"() ({
        %run_scoped3A = tpu.sem_alloc : memref<!tpu.dma_semaphore, #tpu.memory_space<semaphore_mem>>
        %dma_start3A = tpu.memref_slice %arg2[%mul3A_53] : memref<320000xi32, #tpu.memory_space<hbm>> -> memref<2000xi32, #tpu.memory_space<hbm>>
        %dma_start3A_64 = tpu.memref_slice %arg2[%mul3A_53] : memref<320000xi32, #tpu.memory_space<hbm>> -> memref<2000xi32, #tpu.memory_space<hbm>>
        tpu.enqueue_dma source(%dma_start3A_64 : memref<2000xi32, #tpu.memory_space<hbm>>) target(%arg22 : memref<2000xi32, #tpu.memory_space<vmem>>) target_semaphore(%run_scoped3A : memref<!tpu.dma_semaphore, #tpu.memory_space<semaphore_mem>>)
        %dma_wait3A = tpu.memref_slice %arg2[%mul3A_53] : memref<320000xi32, #tpu.memory_space<hbm>> -> memref<2000xi32, #tpu.memory_space<hbm>>
        %dma_wait3A_65 = tpu.memref_slice %arg2[%mul3A_53] : memref<320000xi32, #tpu.memory_space<hbm>> -> memref<2000xi32, #tpu.memory_space<hbm>>
        tpu.wait_dma2 semaphore(%run_scoped3A : memref<!tpu.dma_semaphore, #tpu.memory_space<semaphore_mem>>) src(%dma_wait3A_65 : memref<2000xi32, #tpu.memory_space<hbm>>) dst(%arg22 : memref<2000xi32, #tpu.memory_space<vmem>>)
        tpu.yield
      }) : () -> ()
      %mul3A_54 = arith.constant 2000 : i32
      %mul3A_55 = arith.muli %scan3A_50, %mul3A_54 : i32
      "tpu.region"() ({
        %run_scoped3A = tpu.sem_alloc : memref<!tpu.dma_semaphore, #tpu.memory_space<semaphore_mem>>
        %dma_start3A = tpu.memref_slice %arg3[%mul3A_55] : memref<320000xi32, #tpu.memory_space<hbm>> -> memref<2000xi32, #tpu.memory_space<hbm>>
        %dma_start3A_64 = tpu.memref_slice %arg3[%mul3A_55] : memref<320000xi32, #tpu.memory_space<hbm>> -> memref<2000xi32, #tpu.memory_space<hbm>>
        tpu.enqueue_dma source(%dma_start3A_64 : memref<2000xi32, #tpu.memory_space<hbm>>) target(%arg23 : memref<2000xi32, #tpu.memory_space<vmem>>) target_semaphore(%run_scoped3A : memref<!tpu.dma_semaphore, #tpu.memory_space<semaphore_mem>>)
        %dma_wait3A = tpu.memref_slice %arg3[%mul3A_55] : memref<320000xi32, #tpu.memory_space<hbm>> -> memref<2000xi32, #tpu.memory_space<hbm>>
        %dma_wait3A_65 = tpu.memref_slice %arg3[%mul3A_55] : memref<320000xi32, #tpu.memory_space<hbm>> -> memref<2000xi32, #tpu.memory_space<hbm>>
        tpu.wait_dma2 semaphore(%run_scoped3A : memref<!tpu.dma_semaphore, #tpu.memory_space<semaphore_mem>>) src(%dma_wait3A_65 : memref<2000xi32, #tpu.memory_space<hbm>>) dst(%arg23 : memref<2000xi32, #tpu.memory_space<vmem>>)
        tpu.yield
      }) : () -> ()
      %scan3A_56 = arith.constant 0 : i32
      %scan3A_57 = arith.constant 0 : i32
      %scan3A_58 = arith.constant 125 : i32
      %scan3A_59 = arith.addi %scan3A_57, %scan3A_58 : i32
      %scan3A_60 = arith.constant 1 : i32
      %scan3A_61 = scf.for %scan3A_64 = %scan3A_57 to %scan3A_59 step %scan3A_60 iter_args(%scan3A_65 = %scan3A_56) -> (i32)  : i32 {
        %mul3A_66 = arith.constant 16 : i32
        %mul3A_67 = arith.muli %scan3A_64, %mul3A_66 : i32
        %get3A_68 = arith.index_cast %mul3A_67 : i32 to index
        %get3A_69 = tpu.vector_load %arg22[%get3A_68] {strides = array<i32>} : memref<2000xi32, #tpu.memory_space<vmem>>, vector<16xi32>,
        %mul3A_70 = arith.constant 16 : i32
        %mul3A_71 = arith.muli %scan3A_64, %mul3A_70 : i32
        %get3A_72 = arith.index_cast %mul3A_71 : i32 to index
        %get3A_73 = tpu.vector_load %arg23[%get3A_72] {strides = array<i32>} : memref<2000xi32, #tpu.memory_space<vmem>>, vector<16xi32>,
        %gather3A = tpu.vector_load_idx %arg10[%get3A_69] : memref<10240xf32, #tpu.memory_space<vmem>>[vector<16xi32>], vector<16xf32>,
        %gather3A_74 = tpu.vector_load_idx %arg11[%get3A_73] : memref<10240xf32, #tpu.memory_space<vmem>>[vector<16xi32>], vector<16xf32>,
        %add3A_75 = arith.addf %gather3A, %gather3A_74 : vector<16xf32>
        %mul3A_76 = arith.constant 2.000000e-01 : f32
        %mul3A_77 = vector.broadcast %mul3A_76 : f32 to vector<16xf32>
        %mul3A_78 = arith.mulf %mul3A_77, %add3A_75 : vector<16xf32>
        %max3A = arith.maximumf %add3A_75, %mul3A_78 : vector<16xf32>
        %add3A_79 = arith.addf %gather3A_74, %get3A_24 : vector<16xf32>
        %max3A_80 = arith.constant 0.000000e+00 : f32
        %max3A_81 = vector.broadcast %max3A_80 : f32 to vector<16xf32>
        %max3A_82 = arith.maximumf %add3A_79, %max3A_81 : vector<16xf32>
        %sub3A = arith.subf %max3A, %max3A_82 : vector<16xf32>
        %exp3A = math.exp %sub3A : vector<16xf32>
        tpu.vector_store_idx %arg21[%get3A_73], %exp3A {add = true} : memref<10240xf32, #tpu.memory_space<vmem>>[vector<16xi32>], vector<16xf32>,
        %gather3A_83 = tpu.vector_load_idx %arg13[%get3A_69] : memref<10240xf32, #tpu.memory_space<vmem>>[vector<16xi32>], vector<16xf32>,
        %mul3A_84 = arith.mulf %gather3A_83, %exp3A : vector<16xf32>
        tpu.vector_store_idx %arg17[%get3A_73], %mul3A_84 {add = true} : memref<10240xf32, #tpu.memory_space<vmem>>[vector<16xi32>], vector<16xf32>,
        %gather3A_85 = tpu.vector_load_idx %arg14[%get3A_69] : memref<10240xf32, #tpu.memory_space<vmem>>[vector<16xi32>], vector<16xf32>,
        %mul3A_86 = arith.mulf %gather3A_85, %exp3A : vector<16xf32>
        tpu.vector_store_idx %arg18[%get3A_73], %mul3A_86 {add = true} : memref<10240xf32, #tpu.memory_space<vmem>>[vector<16xi32>], vector<16xf32>,
        %gather3A_87 = tpu.vector_load_idx %arg15[%get3A_69] : memref<10240xf32, #tpu.memory_space<vmem>>[vector<16xi32>], vector<16xf32>,
        %mul3A_88 = arith.mulf %gather3A_87, %exp3A : vector<16xf32>
        tpu.vector_store_idx %arg19[%get3A_73], %mul3A_88 {add = true} : memref<10240xf32, #tpu.memory_space<vmem>>[vector<16xi32>], vector<16xf32>,
        %gather3A_89 = tpu.vector_load_idx %arg16[%get3A_69] : memref<10240xf32, #tpu.memory_space<vmem>>[vector<16xi32>], vector<16xf32>,
        %mul3A_90 = arith.mulf %gather3A_89, %exp3A : vector<16xf32>
        tpu.vector_store_idx %arg20[%get3A_73], %mul3A_90 {add = true} : memref<10240xf32, #tpu.memory_space<vmem>>[vector<16xi32>], vector<16xf32>,
        %scan3A_91 = arith.constant 0 : i32
        scf.yield %scan3A_91 : i32
      }
      %scan3A_62 = arith.constant 125 : i32
      %scan3A_63 = arith.constant 0 : i32
      scf.yield %scan3A_63 : i32
    }
    %scan3A_31 = arith.constant 160 : i32
    %mul3A_32 = arith.constant 4 : i32
    %mul3A_33 = arith.muli %add3A, %mul3A_32 : i32
    %add3A_34 = arith.constant 0 : i32
    %add3A_35 = arith.addi %mul3A_33, %add3A_34 : i32
    "tpu.region"() ({
      %run_scoped3A = tpu.sem_alloc : memref<!tpu.dma_semaphore, #tpu.memory_space<semaphore_mem>>
      %dma_start3A = arith.constant 0 : i32
      %dma_start3A_50 = tpu.memref_slice %arg8[%add3A_35, %dma_start3A] : memref<128x10240xf32, #tpu.memory_space<hbm>> -> memref<1x10240xf32, #tpu.memory_space<hbm>>
      %dma_start3A_51 = tpu.memref_squeeze %dma_start3A_50 : memref<1x10240xf32, #tpu.memory_space<hbm>> -> memref<10240xf32, #tpu.memory_space<hbm>>
      %dma_start3A_52 = arith.constant 0 : i32
      %dma_start3A_53 = tpu.memref_slice %arg8[%add3A_35, %dma_start3A_52] : memref<128x10240xf32, #tpu.memory_space<hbm>> -> memref<1x10240xf32, #tpu.memory_space<hbm>>
      %dma_start3A_54 = tpu.memref_squeeze %dma_start3A_53 : memref<1x10240xf32, #tpu.memory_space<hbm>> -> memref<10240xf32, #tpu.memory_space<hbm>>
      tpu.enqueue_dma source(%arg17 : memref<10240xf32, #tpu.memory_space<vmem>>) target(%dma_start3A_54 : memref<10240xf32, #tpu.memory_space<hbm>>) target_semaphore(%run_scoped3A : memref<!tpu.dma_semaphore, #tpu.memory_space<semaphore_mem>>)
      %dma_wait3A = arith.constant 0 : i32
      %dma_wait3A_55 = tpu.memref_slice %arg8[%add3A_35, %dma_wait3A] : memref<128x10240xf32, #tpu.memory_space<hbm>> -> memref<1x10240xf32, #tpu.memory_space<hbm>>
      %dma_wait3A_56 = tpu.memref_squeeze %dma_wait3A_55 : memref<1x10240xf32, #tpu.memory_space<hbm>> -> memref<10240xf32, #tpu.memory_space<hbm>>
      %dma_wait3A_57 = arith.constant 0 : i32
      %dma_wait3A_58 = tpu.memref_slice %arg8[%add3A_35, %dma_wait3A_57] : memref<128x10240xf32, #tpu.memory_space<hbm>> -> memref<1x10240xf32, #tpu.memory_space<hbm>>
      %dma_wait3A_59 = tpu.memref_squeeze %dma_wait3A_58 : memref<1x10240xf32, #tpu.memory_space<hbm>> -> memref<10240xf32, #tpu.memory_space<hbm>>
      tpu.wait_dma2 semaphore(%run_scoped3A : memref<!tpu.dma_semaphore, #tpu.memory_space<semaphore_mem>>) src(%arg17 : memref<10240xf32, #tpu.memory_space<vmem>>) dst(%dma_wait3A_59 : memref<10240xf32, #tpu.memory_space<hbm>>)
      tpu.yield
    }) : () -> ()
    %mul3A_36 = arith.constant 4 : i32
    %mul3A_37 = arith.muli %add3A, %mul3A_36 : i32
    %add3A_38 = arith.constant 1 : i32
    %add3A_39 = arith.addi %mul3A_37, %add3A_38 : i32
    "tpu.region"() ({
      %run_scoped3A = tpu.sem_alloc : memref<!tpu.dma_semaphore, #tpu.memory_space<semaphore_mem>>
      %dma_start3A = arith.constant 0 : i32
      %dma_start3A_50 = tpu.memref_slice %arg8[%add3A_39, %dma_start3A] : memref<128x10240xf32, #tpu.memory_space<hbm>> -> memref<1x10240xf32, #tpu.memory_space<hbm>>
      %dma_start3A_51 = tpu.memref_squeeze %dma_start3A_50 : memref<1x10240xf32, #tpu.memory_space<hbm>> -> memref<10240xf32, #tpu.memory_space<hbm>>
      %dma_start3A_52 = arith.constant 0 : i32
      %dma_start3A_53 = tpu.memref_slice %arg8[%add3A_39, %dma_start3A_52] : memref<128x10240xf32, #tpu.memory_space<hbm>> -> memref<1x10240xf32, #tpu.memory_space<hbm>>
      %dma_start3A_54 = tpu.memref_squeeze %dma_start3A_53 : memref<1x10240xf32, #tpu.memory_space<hbm>> -> memref<10240xf32, #tpu.memory_space<hbm>>
      tpu.enqueue_dma source(%arg18 : memref<10240xf32, #tpu.memory_space<vmem>>) target(%dma_start3A_54 : memref<10240xf32, #tpu.memory_space<hbm>>) target_semaphore(%run_scoped3A : memref<!tpu.dma_semaphore, #tpu.memory_space<semaphore_mem>>)
      %dma_wait3A = arith.constant 0 : i32
      %dma_wait3A_55 = tpu.memref_slice %arg8[%add3A_39, %dma_wait3A] : memref<128x10240xf32, #tpu.memory_space<hbm>> -> memref<1x10240xf32, #tpu.memory_space<hbm>>
      %dma_wait3A_56 = tpu.memref_squeeze %dma_wait3A_55 : memref<1x10240xf32, #tpu.memory_space<hbm>> -> memref<10240xf32, #tpu.memory_space<hbm>>
      %dma_wait3A_57 = arith.constant 0 : i32
      %dma_wait3A_58 = tpu.memref_slice %arg8[%add3A_39, %dma_wait3A_57] : memref<128x10240xf32, #tpu.memory_space<hbm>> -> memref<1x10240xf32, #tpu.memory_space<hbm>>
      %dma_wait3A_59 = tpu.memref_squeeze %dma_wait3A_58 : memref<1x10240xf32, #tpu.memory_space<hbm>> -> memref<10240xf32, #tpu.memory_space<hbm>>
      tpu.wait_dma2 semaphore(%run_scoped3A : memref<!tpu.dma_semaphore, #tpu.memory_space<semaphore_mem>>) src(%arg18 : memref<10240xf32, #tpu.memory_space<vmem>>) dst(%dma_wait3A_59 : memref<10240xf32, #tpu.memory_space<hbm>>)
      tpu.yield
    }) : () -> ()
    %mul3A_40 = arith.constant 4 : i32
    %mul3A_41 = arith.muli %add3A, %mul3A_40 : i32
    %add3A_42 = arith.constant 2 : i32
    %add3A_43 = arith.addi %mul3A_41, %add3A_42 : i32
    "tpu.region"() ({
      %run_scoped3A = tpu.sem_alloc : memref<!tpu.dma_semaphore, #tpu.memory_space<semaphore_mem>>
      %dma_start3A = arith.constant 0 : i32
      %dma_start3A_50 = tpu.memref_slice %arg8[%add3A_43, %dma_start3A] : memref<128x10240xf32, #tpu.memory_space<hbm>> -> memref<1x10240xf32, #tpu.memory_space<hbm>>
      %dma_start3A_51 = tpu.memref_squeeze %dma_start3A_50 : memref<1x10240xf32, #tpu.memory_space<hbm>> -> memref<10240xf32, #tpu.memory_space<hbm>>
      %dma_start3A_52 = arith.constant 0 : i32
      %dma_start3A_53 = tpu.memref_slice %arg8[%add3A_43, %dma_start3A_52] : memref<128x10240xf32, #tpu.memory_space<hbm>> -> memref<1x10240xf32, #tpu.memory_space<hbm>>
      %dma_start3A_54 = tpu.memref_squeeze %dma_start3A_53 : memref<1x10240xf32, #tpu.memory_space<hbm>> -> memref<10240xf32, #tpu.memory_space<hbm>>
      tpu.enqueue_dma source(%arg19 : memref<10240xf32, #tpu.memory_space<vmem>>) target(%dma_start3A_54 : memref<10240xf32, #tpu.memory_space<hbm>>) target_semaphore(%run_scoped3A : memref<!tpu.dma_semaphore, #tpu.memory_space<semaphore_mem>>)
      %dma_wait3A = arith.constant 0 : i32
      %dma_wait3A_55 = tpu.memref_slice %arg8[%add3A_43, %dma_wait3A] : memref<128x10240xf32, #tpu.memory_space<hbm>> -> memref<1x10240xf32, #tpu.memory_space<hbm>>
      %dma_wait3A_56 = tpu.memref_squeeze %dma_wait3A_55 : memref<1x10240xf32, #tpu.memory_space<hbm>> -> memref<10240xf32, #tpu.memory_space<hbm>>
      %dma_wait3A_57 = arith.constant 0 : i32
      %dma_wait3A_58 = tpu.memref_slice %arg8[%add3A_43, %dma_wait3A_57] : memref<128x10240xf32, #tpu.memory_space<hbm>> -> memref<1x10240xf32, #tpu.memory_space<hbm>>
      %dma_wait3A_59 = tpu.memref_squeeze %dma_wait3A_58 : memref<1x10240xf32, #tpu.memory_space<hbm>> -> memref<10240xf32, #tpu.memory_space<hbm>>
      tpu.wait_dma2 semaphore(%run_scoped3A : memref<!tpu.dma_semaphore, #tpu.memory_space<semaphore_mem>>) src(%arg19 : memref<10240xf32, #tpu.memory_space<vmem>>) dst(%dma_wait3A_59 : memref<10240xf32, #tpu.memory_space<hbm>>)
      tpu.yield
    }) : () -> ()
    %mul3A_44 = arith.constant 4 : i32
    %mul3A_45 = arith.muli %add3A, %mul3A_44 : i32
    %add3A_46 = arith.constant 3 : i32
    %add3A_47 = arith.addi %mul3A_45, %add3A_46 : i32
    "tpu.region"() ({
      %run_scoped3A = tpu.sem_alloc : memref<!tpu.dma_semaphore, #tpu.memory_space<semaphore_mem>>
      %dma_start3A = arith.constant 0 : i32
      %dma_start3A_50 = tpu.memref_slice %arg8[%add3A_47, %dma_start3A] : memref<128x10240xf32, #tpu.memory_space<hbm>> -> memref<1x10240xf32, #tpu.memory_space<hbm>>
      %dma_start3A_51 = tpu.memref_squeeze %dma_start3A_50 : memref<1x10240xf32, #tpu.memory_space<hbm>> -> memref<10240xf32, #tpu.memory_space<hbm>>
      %dma_start3A_52 = arith.constant 0 : i32
      %dma_start3A_53 = tpu.memref_slice %arg8[%add3A_47, %dma_start3A_52] : memref<128x10240xf32, #tpu.memory_space<hbm>> -> memref<1x10240xf32, #tpu.memory_space<hbm>>
      %dma_start3A_54 = tpu.memref_squeeze %dma_start3A_53 : memref<1x10240xf32, #tpu.memory_space<hbm>> -> memref<10240xf32, #tpu.memory_space<hbm>>
      tpu.enqueue_dma source(%arg20 : memref<10240xf32, #tpu.memory_space<vmem>>) target(%dma_start3A_54 : memref<10240xf32, #tpu.memory_space<hbm>>) target_semaphore(%run_scoped3A : memref<!tpu.dma_semaphore, #tpu.memory_space<semaphore_mem>>)
      %dma_wait3A = arith.constant 0 : i32
      %dma_wait3A_55 = tpu.memref_slice %arg8[%add3A_47, %dma_wait3A] : memref<128x10240xf32, #tpu.memory_space<hbm>> -> memref<1x10240xf32, #tpu.memory_space<hbm>>
      %dma_wait3A_56 = tpu.memref_squeeze %dma_wait3A_55 : memref<1x10240xf32, #tpu.memory_space<hbm>> -> memref<10240xf32, #tpu.memory_space<hbm>>
      %dma_wait3A_57 = arith.constant 0 : i32
      %dma_wait3A_58 = tpu.memref_slice %arg8[%add3A_47, %dma_wait3A_57] : memref<128x10240xf32, #tpu.memory_space<hbm>> -> memref<1x10240xf32, #tpu.memory_space<hbm>>
      %dma_wait3A_59 = tpu.memref_squeeze %dma_wait3A_58 : memref<1x10240xf32, #tpu.memory_space<hbm>> -> memref<10240xf32, #tpu.memory_space<hbm>>
      tpu.wait_dma2 semaphore(%run_scoped3A : memref<!tpu.dma_semaphore, #tpu.memory_space<semaphore_mem>>) src(%arg20 : memref<10240xf32, #tpu.memory_space<vmem>>) dst(%dma_wait3A_59 : memref<10240xf32, #tpu.memory_space<hbm>>)
      tpu.yield
    }) : () -> ()
    %eq3A = arith.constant 0 : i32
    %eq3A_48 = arith.cmpi eq, %add3A, %eq3A : i32
    %convert_element_type3A = arith.extui %eq3A_48 : i1 to i32
    %cond3A = arith.constant 0 : i32
    %cond3A_49 = arith.cmpi ne, %convert_element_type3A, %cond3A : i32
    scf.if %cond3A_49 {
      "tpu.region"() ({
        %run_scoped3A = tpu.sem_alloc : memref<!tpu.dma_semaphore, #tpu.memory_space<semaphore_mem>>
        tpu.enqueue_dma source(%arg21 : memref<10240xf32, #tpu.memory_space<vmem>>) target(%arg9 : memref<10240xf32, #tpu.memory_space<hbm>>) target_semaphore(%run_scoped3A : memref<!tpu.dma_semaphore, #tpu.memory_space<semaphore_mem>>)
        tpu.wait_dma2 semaphore(%run_scoped3A : memref<!tpu.dma_semaphore, #tpu.memory_space<semaphore_mem>>) src(%arg21 : memref<10240xf32, #tpu.memory_space<vmem>>) dst(%arg9 : memref<10240xf32, #tpu.memory_space<hbm>>)
        tpu.yield
      }) : () -> ()
    } else {
    }
    return
  }
}

#map = affine_map<(d0, d1) -> (0)>
#map1 = affine_map<(d0, d1) -> (0, 0)>
module attributes {stable_mosaic.version = 14 : i64} {
  func.func @_sc_body(%arg0: i32, %arg1: i32, %arg2: memref<320000xi32, #tpu.memory_space<hbm>>, %arg3: memref<320000xi32, #tpu.memory_space<hbm>>, %arg4: memref<10240xf32, #tpu.memory_space<hbm>>, %arg5: memref<10240xf32, #tpu.memory_space<hbm>>, %arg6: memref<16xf32, #tpu.memory_space<hbm>>, %arg7: memref<128x10240xf32, #tpu.memory_space<hbm>>, %arg8: memref<128x10240xf32, #tpu.memory_space<hbm>>, %arg9: memref<10240xf32, #tpu.memory_space<hbm>>, %arg10: memref<10240xf32, #tpu.memory_space<vmem>>, %arg11: memref<10240xf32, #tpu.memory_space<vmem>>, %arg12: memref<16xf32, #tpu.memory_space<vmem>>, %arg13: memref<10240xf32, #tpu.memory_space<vmem>>, %arg14: memref<10240xf32, #tpu.memory_space<vmem>>, %arg15: memref<10240xf32, #tpu.memory_space<vmem>>, %arg16: memref<10240xf32, #tpu.memory_space<vmem>>, %arg17: memref<10240xf32, #tpu.memory_space<vmem>>, %arg18: memref<10240xf32, #tpu.memory_space<vmem>>, %arg19: memref<10240xf32, #tpu.memory_space<vmem>>, %arg20: memref<10240xf32, #tpu.memory_space<vmem>>, %arg21: memref<10240xf32, #tpu.memory_space<vmem>>, %arg22: memref<2000xi32, #tpu.memory_space<vmem>>, %arg23: memref<2000xi32, #tpu.memory_space<vmem>>) attributes {dimension_semantics = [#tpu.dimension_semantics<core_parallel>, #tpu.dimension_semantics<subcore_parallel>], iteration_bounds = array<i64: 2, 16>, scalar_prefetch = 0 : i64, scratch_operands = 14 : i64, tpu.core_type = #tpu.core_type<sc_vector_subcore>, window_params = [{transform_indices = #map}, {transform_indices = #map}, {transform_indices = #map}, {transform_indices = #map}, {transform_indices = #map}, {transform_indices = #map1}, {transform_indices = #map1}, {transform_indices = #map}]} {
    %mul3A = arith.constant 2 : i32
    %mul3A_0 = arith.muli %arg1, %mul3A : i32
    %add3A = arith.addi %mul3A_0, %arg0 : i32
    "tpu.region"() ({
      %run_scoped3A = tpu.sem_alloc : memref<!tpu.dma_semaphore, #tpu.memory_space<semaphore_mem>>
      tpu.enqueue_dma source(%arg4 : memref<10240xf32, #tpu.memory_space<hbm>>) target(%arg10 : memref<10240xf32, #tpu.memory_space<vmem>>) target_semaphore(%run_scoped3A : memref<!tpu.dma_semaphore, #tpu.memory_space<semaphore_mem>>)
      tpu.wait_dma2 semaphore(%run_scoped3A : memref<!tpu.dma_semaphore, #tpu.memory_space<semaphore_mem>>) src(%arg4 : memref<10240xf32, #tpu.memory_space<hbm>>) dst(%arg10 : memref<10240xf32, #tpu.memory_space<vmem>>)
      tpu.yield
    }) : () -> ()
    "tpu.region"() ({
      %run_scoped3A = tpu.sem_alloc : memref<!tpu.dma_semaphore, #tpu.memory_space<semaphore_mem>>
      tpu.enqueue_dma source(%arg5 : memref<10240xf32, #tpu.memory_space<hbm>>) target(%arg11 : memref<10240xf32, #tpu.memory_space<vmem>>) target_semaphore(%run_scoped3A : memref<!tpu.dma_semaphore, #tpu.memory_space<semaphore_mem>>)
      tpu.wait_dma2 semaphore(%run_scoped3A : memref<!tpu.dma_semaphore, #tpu.memory_space<semaphore_mem>>) src(%arg5 : memref<10240xf32, #tpu.memory_space<hbm>>) dst(%arg11 : memref<10240xf32, #tpu.memory_space<vmem>>)
      tpu.yield
    }) : () -> ()
    "tpu.region"() ({
      %run_scoped3A = tpu.sem_alloc : memref<!tpu.dma_semaphore, #tpu.memory_space<semaphore_mem>>
      tpu.enqueue_dma source(%arg6 : memref<16xf32, #tpu.memory_space<hbm>>) target(%arg12 : memref<16xf32, #tpu.memory_space<vmem>>) target_semaphore(%run_scoped3A : memref<!tpu.dma_semaphore, #tpu.memory_space<semaphore_mem>>)
      tpu.wait_dma2 semaphore(%run_scoped3A : memref<!tpu.dma_semaphore, #tpu.memory_space<semaphore_mem>>) src(%arg6 : memref<16xf32, #tpu.memory_space<hbm>>) dst(%arg12 : memref<16xf32, #tpu.memory_space<vmem>>)
      tpu.yield
    }) : () -> ()
    %mul3A_1 = arith.constant 4 : i32
    %mul3A_2 = arith.muli %add3A, %mul3A_1 : i32
    %add3A_3 = arith.constant 0 : i32
    %add3A_4 = arith.addi %mul3A_2, %add3A_3 : i32
    "tpu.region"() ({
      %run_scoped3A = tpu.sem_alloc : memref<!tpu.dma_semaphore, #tpu.memory_space<semaphore_mem>>
      %dma_start3A = arith.constant 0 : i32
      %dma_start3A_50 = tpu.memref_slice %arg7[%add3A_4, %dma_start3A] : memref<128x10240xf32, #tpu.memory_space<hbm>> -> memref<1x10240xf32, #tpu.memory_space<hbm>>
      %dma_start3A_51 = tpu.memref_squeeze %dma_start3A_50 : memref<1x10240xf32, #tpu.memory_space<hbm>> -> memref<10240xf32, #tpu.memory_space<hbm>>
      %dma_start3A_52 = arith.constant 0 : i32
      %dma_start3A_53 = tpu.memref_slice %arg7[%add3A_4, %dma_start3A_52] : memref<128x10240xf32, #tpu.memory_space<hbm>> -> memref<1x10240xf32, #tpu.memory_space<hbm>>
      %dma_start3A_54 = tpu.memref_squeeze %dma_start3A_53 : memref<1x10240xf32, #tpu.memory_space<hbm>> -> memref<10240xf32, #tpu.memory_space<hbm>>
      tpu.enqueue_dma source(%dma_start3A_54 : memref<10240xf32, #tpu.memory_space<hbm>>) target(%arg13 : memref<10240xf32, #tpu.memory_space<vmem>>) target_semaphore(%run_scoped3A : memref<!tpu.dma_semaphore, #tpu.memory_space<semaphore_mem>>)
      %dma_wait3A = arith.constant 0 : i32
      %dma_wait3A_55 = tpu.memref_slice %arg7[%add3A_4, %dma_wait3A] : memref<128x10240xf32, #tpu.memory_space<hbm>> -> memref<1x10240xf32, #tpu.memory_space<hbm>>
      %dma_wait3A_56 = tpu.memref_squeeze %dma_wait3A_55 : memref<1x10240xf32, #tpu.memory_space<hbm>> -> memref<10240xf32, #tpu.memory_space<hbm>>
      %dma_wait3A_57 = arith.constant 0 : i32
      %dma_wait3A_58 = tpu.memref_slice %arg7[%add3A_4, %dma_wait3A_57] : memref<128x10240xf32, #tpu.memory_space<hbm>> -> memref<1x10240xf32, #tpu.memory_space<hbm>>
      %dma_wait3A_59 = tpu.memref_squeeze %dma_wait3A_58 : memref<1x10240xf32, #tpu.memory_space<hbm>> -> memref<10240xf32, #tpu.memory_space<hbm>>
      tpu.wait_dma2 semaphore(%run_scoped3A : memref<!tpu.dma_semaphore, #tpu.memory_space<semaphore_mem>>) src(%dma_wait3A_59 : memref<10240xf32, #tpu.memory_space<hbm>>) dst(%arg13 : memref<10240xf32, #tpu.memory_space<vmem>>)
      tpu.yield
    }) : () -> ()
    %mul3A_5 = arith.constant 4 : i32
    %mul3A_6 = arith.muli %add3A, %mul3A_5 : i32
    %add3A_7 = arith.constant 1 : i32
    %add3A_8 = arith.addi %mul3A_6, %add3A_7 : i32
    "tpu.region"() ({
      %run_scoped3A = tpu.sem_alloc : memref<!tpu.dma_semaphore, #tpu.memory_space<semaphore_mem>>
      %dma_start3A = arith.constant 0 : i32
      %dma_start3A_50 = tpu.memref_slice %arg7[%add3A_8, %dma_start3A] : memref<128x10240xf32, #tpu.memory_space<hbm>> -> memref<1x10240xf32, #tpu.memory_space<hbm>>
      %dma_start3A_51 = tpu.memref_squeeze %dma_start3A_50 : memref<1x10240xf32, #tpu.memory_space<hbm>> -> memref<10240xf32, #tpu.memory_space<hbm>>
      %dma_start3A_52 = arith.constant 0 : i32
      %dma_start3A_53 = tpu.memref_slice %arg7[%add3A_8, %dma_start3A_52] : memref<128x10240xf32, #tpu.memory_space<hbm>> -> memref<1x10240xf32, #tpu.memory_space<hbm>>
      %dma_start3A_54 = tpu.memref_squeeze %dma_start3A_53 : memref<1x10240xf32, #tpu.memory_space<hbm>> -> memref<10240xf32, #tpu.memory_space<hbm>>
      tpu.enqueue_dma source(%dma_start3A_54 : memref<10240xf32, #tpu.memory_space<hbm>>) target(%arg14 : memref<10240xf32, #tpu.memory_space<vmem>>) target_semaphore(%run_scoped3A : memref<!tpu.dma_semaphore, #tpu.memory_space<semaphore_mem>>)
      %dma_wait3A = arith.constant 0 : i32
      %dma_wait3A_55 = tpu.memref_slice %arg7[%add3A_8, %dma_wait3A] : memref<128x10240xf32, #tpu.memory_space<hbm>> -> memref<1x10240xf32, #tpu.memory_space<hbm>>
      %dma_wait3A_56 = tpu.memref_squeeze %dma_wait3A_55 : memref<1x10240xf32, #tpu.memory_space<hbm>> -> memref<10240xf32, #tpu.memory_space<hbm>>
      %dma_wait3A_57 = arith.constant 0 : i32
      %dma_wait3A_58 = tpu.memref_slice %arg7[%add3A_8, %dma_wait3A_57] : memref<128x10240xf32, #tpu.memory_space<hbm>> -> memref<1x10240xf32, #tpu.memory_space<hbm>>
      %dma_wait3A_59 = tpu.memref_squeeze %dma_wait3A_58 : memref<1x10240xf32, #tpu.memory_space<hbm>> -> memref<10240xf32, #tpu.memory_space<hbm>>
      tpu.wait_dma2 semaphore(%run_scoped3A : memref<!tpu.dma_semaphore, #tpu.memory_space<semaphore_mem>>) src(%dma_wait3A_59 : memref<10240xf32, #tpu.memory_space<hbm>>) dst(%arg14 : memref<10240xf32, #tpu.memory_space<vmem>>)
      tpu.yield
    }) : () -> ()
    %mul3A_9 = arith.constant 4 : i32
    %mul3A_10 = arith.muli %add3A, %mul3A_9 : i32
    %add3A_11 = arith.constant 2 : i32
    %add3A_12 = arith.addi %mul3A_10, %add3A_11 : i32
    "tpu.region"() ({
      %run_scoped3A = tpu.sem_alloc : memref<!tpu.dma_semaphore, #tpu.memory_space<semaphore_mem>>
      %dma_start3A = arith.constant 0 : i32
      %dma_start3A_50 = tpu.memref_slice %arg7[%add3A_12, %dma_start3A] : memref<128x10240xf32, #tpu.memory_space<hbm>> -> memref<1x10240xf32, #tpu.memory_space<hbm>>
      %dma_start3A_51 = tpu.memref_squeeze %dma_start3A_50 : memref<1x10240xf32, #tpu.memory_space<hbm>> -> memref<10240xf32, #tpu.memory_space<hbm>>
      %dma_start3A_52 = arith.constant 0 : i32
      %dma_start3A_53 = tpu.memref_slice %arg7[%add3A_12, %dma_start3A_52] : memref<128x10240xf32, #tpu.memory_space<hbm>> -> memref<1x10240xf32, #tpu.memory_space<hbm>>
      %dma_start3A_54 = tpu.memref_squeeze %dma_start3A_53 : memref<1x10240xf32, #tpu.memory_space<hbm>> -> memref<10240xf32, #tpu.memory_space<hbm>>
      tpu.enqueue_dma source(%dma_start3A_54 : memref<10240xf32, #tpu.memory_space<hbm>>) target(%arg15 : memref<10240xf32, #tpu.memory_space<vmem>>) target_semaphore(%run_scoped3A : memref<!tpu.dma_semaphore, #tpu.memory_space<semaphore_mem>>)
      %dma_wait3A = arith.constant 0 : i32
      %dma_wait3A_55 = tpu.memref_slice %arg7[%add3A_12, %dma_wait3A] : memref<128x10240xf32, #tpu.memory_space<hbm>> -> memref<1x10240xf32, #tpu.memory_space<hbm>>
      %dma_wait3A_56 = tpu.memref_squeeze %dma_wait3A_55 : memref<1x10240xf32, #tpu.memory_space<hbm>> -> memref<10240xf32, #tpu.memory_space<hbm>>
      %dma_wait3A_57 = arith.constant 0 : i32
      %dma_wait3A_58 = tpu.memref_slice %arg7[%add3A_12, %dma_wait3A_57] : memref<128x10240xf32, #tpu.memory_space<hbm>> -> memref<1x10240xf32, #tpu.memory_space<hbm>>
      %dma_wait3A_59 = tpu.memref_squeeze %dma_wait3A_58 : memref<1x10240xf32, #tpu.memory_space<hbm>> -> memref<10240xf32, #tpu.memory_space<hbm>>
      tpu.wait_dma2 semaphore(%run_scoped3A : memref<!tpu.dma_semaphore, #tpu.memory_space<semaphore_mem>>) src(%dma_wait3A_59 : memref<10240xf32, #tpu.memory_space<hbm>>) dst(%arg15 : memref<10240xf32, #tpu.memory_space<vmem>>)
      tpu.yield
    }) : () -> ()
    %mul3A_13 = arith.constant 4 : i32
    %mul3A_14 = arith.muli %add3A, %mul3A_13 : i32
    %add3A_15 = arith.constant 3 : i32
    %add3A_16 = arith.addi %mul3A_14, %add3A_15 : i32
    "tpu.region"() ({
      %run_scoped3A = tpu.sem_alloc : memref<!tpu.dma_semaphore, #tpu.memory_space<semaphore_mem>>
      %dma_start3A = arith.constant 0 : i32
      %dma_start3A_50 = tpu.memref_slice %arg7[%add3A_16, %dma_start3A] : memref<128x10240xf32, #tpu.memory_space<hbm>> -> memref<1x10240xf32, #tpu.memory_space<hbm>>
      %dma_start3A_51 = tpu.memref_squeeze %dma_start3A_50 : memref<1x10240xf32, #tpu.memory_space<hbm>> -> memref<10240xf32, #tpu.memory_space<hbm>>
      %dma_start3A_52 = arith.constant 0 : i32
      %dma_start3A_53 = tpu.memref_slice %arg7[%add3A_16, %dma_start3A_52] : memref<128x10240xf32, #tpu.memory_space<hbm>> -> memref<1x10240xf32, #tpu.memory_space<hbm>>
      %dma_start3A_54 = tpu.memref_squeeze %dma_start3A_53 : memref<1x10240xf32, #tpu.memory_space<hbm>> -> memref<10240xf32, #tpu.memory_space<hbm>>
      tpu.enqueue_dma source(%dma_start3A_54 : memref<10240xf32, #tpu.memory_space<hbm>>) target(%arg16 : memref<10240xf32, #tpu.memory_space<vmem>>) target_semaphore(%run_scoped3A : memref<!tpu.dma_semaphore, #tpu.memory_space<semaphore_mem>>)
      %dma_wait3A = arith.constant 0 : i32
      %dma_wait3A_55 = tpu.memref_slice %arg7[%add3A_16, %dma_wait3A] : memref<128x10240xf32, #tpu.memory_space<hbm>> -> memref<1x10240xf32, #tpu.memory_space<hbm>>
      %dma_wait3A_56 = tpu.memref_squeeze %dma_wait3A_55 : memref<1x10240xf32, #tpu.memory_space<hbm>> -> memref<10240xf32, #tpu.memory_space<hbm>>
      %dma_wait3A_57 = arith.constant 0 : i32
      %dma_wait3A_58 = tpu.memref_slice %arg7[%add3A_16, %dma_wait3A_57] : memref<128x10240xf32, #tpu.memory_space<hbm>> -> memref<1x10240xf32, #tpu.memory_space<hbm>>
      %dma_wait3A_59 = tpu.memref_squeeze %dma_wait3A_58 : memref<1x10240xf32, #tpu.memory_space<hbm>> -> memref<10240xf32, #tpu.memory_space<hbm>>
      tpu.wait_dma2 semaphore(%run_scoped3A : memref<!tpu.dma_semaphore, #tpu.memory_space<semaphore_mem>>) src(%dma_wait3A_59 : memref<10240xf32, #tpu.memory_space<hbm>>) dst(%arg16 : memref<10240xf32, #tpu.memory_space<vmem>>)
      tpu.yield
    }) : () -> ()
    %broadcast_in_dim3A = arith.constant 0.000000e+00 : f32
    %broadcast_in_dim3A_17 = vector.broadcast %broadcast_in_dim3A : f32 to vector<16xf32>
    %scan3A = arith.constant 0 : i32
    %scan3A_18 = arith.constant 0 : i32
    %scan3A_19 = arith.constant 640 : i32
    %scan3A_20 = arith.addi %scan3A_18, %scan3A_19 : i32
    %scan3A_21 = arith.constant 1 : i32
    %scan3A_22 = scf.for %scan3A_50 = %scan3A_18 to %scan3A_20 step %scan3A_21 iter_args(%scan3A_51 = %scan3A) -> (i32)  : i32 {
      %mul3A_52 = arith.constant 16 : i32
      %mul3A_53 = arith.muli %scan3A_50, %mul3A_52 : i32
      %swap3A = arith.index_cast %mul3A_53 : i32 to index
      %swap3A_54 = tpu.vector_load %arg17[%swap3A] {strides = array<i32>} : memref<10240xf32, #tpu.memory_space<vmem>>, vector<16xf32>,
      tpu.vector_store %arg17[%swap3A], %broadcast_in_dim3A_17 {strides = array<i32>} : memref<10240xf32, #tpu.memory_space<vmem>>, vector<16xf32>,
      %mul3A_55 = arith.constant 16 : i32
      %mul3A_56 = arith.muli %scan3A_50, %mul3A_55 : i32
      %swap3A_57 = arith.index_cast %mul3A_56 : i32 to index
      %swap3A_58 = tpu.vector_load %arg18[%swap3A_57] {strides = array<i32>} : memref<10240xf32, #tpu.memory_space<vmem>>, vector<16xf32>,
      tpu.vector_store %arg18[%swap3A_57], %broadcast_in_dim3A_17 {strides = array<i32>} : memref<10240xf32, #tpu.memory_space<vmem>>, vector<16xf32>,
      %mul3A_59 = arith.constant 16 : i32
      %mul3A_60 = arith.muli %scan3A_50, %mul3A_59 : i32
      %swap3A_61 = arith.index_cast %mul3A_60 : i32 to index
      %swap3A_62 = tpu.vector_load %arg19[%swap3A_61] {strides = array<i32>} : memref<10240xf32, #tpu.memory_space<vmem>>, vector<16xf32>,
      tpu.vector_store %arg19[%swap3A_61], %broadcast_in_dim3A_17 {strides = array<i32>} : memref<10240xf32, #tpu.memory_space<vmem>>, vector<16xf32>,
      %mul3A_63 = arith.constant 16 : i32
      %mul3A_64 = arith.muli %scan3A_50, %mul3A_63 : i32
      %swap3A_65 = arith.index_cast %mul3A_64 : i32 to index
      %swap3A_66 = tpu.vector_load %arg20[%swap3A_65] {strides = array<i32>} : memref<10240xf32, #tpu.memory_space<vmem>>, vector<16xf32>,
      tpu.vector_store %arg20[%swap3A_65], %broadcast_in_dim3A_17 {strides = array<i32>} : memref<10240xf32, #tpu.memory_space<vmem>>, vector<16xf32>,
      %mul3A_67 = arith.constant 16 : i32
      %mul3A_68 = arith.muli %scan3A_50, %mul3A_67 : i32
      %swap3A_69 = arith.index_cast %mul3A_68 : i32 to index
      %swap3A_70 = tpu.vector_load %arg21[%swap3A_69] {strides = array<i32>} : memref<10240xf32, #tpu.memory_space<vmem>>, vector<16xf32>,
      tpu.vector_store %arg21[%swap3A_69], %broadcast_in_dim3A_17 {strides = array<i32>} : memref<10240xf32, #tpu.memory_space<vmem>>, vector<16xf32>,
      %scan3A_71 = arith.constant 0 : i32
      scf.yield %scan3A_71 : i32
    }
    %scan3A_23 = arith.constant 640 : i32
    %get3A = arith.constant 0 : index
    %get3A_24 = tpu.vector_load %arg12[%get3A] {strides = array<i32>} : memref<16xf32, #tpu.memory_space<vmem>>, vector<16xf32>,
    %scan3A_25 = arith.constant 0 : i32
    %scan3A_26 = arith.constant 0 : i32
    %scan3A_27 = arith.constant 160 : i32
    %scan3A_28 = arith.addi %scan3A_26, %scan3A_27 : i32
    %scan3A_29 = arith.constant 1 : i32
    %scan3A_30 = scf.for %scan3A_50 = %scan3A_26 to %scan3A_28 step %scan3A_29 iter_args(%scan3A_51 = %scan3A_25) -> (i32)  : i32 {
      %mul3A_52 = arith.constant 2000 : i32
      %mul3A_53 = arith.muli %scan3A_50, %mul3A_52 : i32
      "tpu.region"() ({
        %run_scoped3A = tpu.sem_alloc : memref<!tpu.dma_semaphore, #tpu.memory_space<semaphore_mem>>
        %dma_start3A = tpu.memref_slice %arg2[%mul3A_53] : memref<320000xi32, #tpu.memory_space<hbm>> -> memref<2000xi32, #tpu.memory_space<hbm>>
        %dma_start3A_64 = tpu.memref_slice %arg2[%mul3A_53] : memref<320000xi32, #tpu.memory_space<hbm>> -> memref<2000xi32, #tpu.memory_space<hbm>>
        tpu.enqueue_dma source(%dma_start3A_64 : memref<2000xi32, #tpu.memory_space<hbm>>) target(%arg22 : memref<2000xi32, #tpu.memory_space<vmem>>) target_semaphore(%run_scoped3A : memref<!tpu.dma_semaphore, #tpu.memory_space<semaphore_mem>>)
        %dma_wait3A = tpu.memref_slice %arg2[%mul3A_53] : memref<320000xi32, #tpu.memory_space<hbm>> -> memref<2000xi32, #tpu.memory_space<hbm>>
        %dma_wait3A_65 = tpu.memref_slice %arg2[%mul3A_53] : memref<320000xi32, #tpu.memory_space<hbm>> -> memref<2000xi32, #tpu.memory_space<hbm>>
        tpu.wait_dma2 semaphore(%run_scoped3A : memref<!tpu.dma_semaphore, #tpu.memory_space<semaphore_mem>>) src(%dma_wait3A_65 : memref<2000xi32, #tpu.memory_space<hbm>>) dst(%arg22 : memref<2000xi32, #tpu.memory_space<vmem>>)
        tpu.yield
      }) : () -> ()
      %mul3A_54 = arith.constant 2000 : i32
      %mul3A_55 = arith.muli %scan3A_50, %mul3A_54 : i32
      "tpu.region"() ({
        %run_scoped3A = tpu.sem_alloc : memref<!tpu.dma_semaphore, #tpu.memory_space<semaphore_mem>>
        %dma_start3A = tpu.memref_slice %arg3[%mul3A_55] : memref<320000xi32, #tpu.memory_space<hbm>> -> memref<2000xi32, #tpu.memory_space<hbm>>
        %dma_start3A_64 = tpu.memref_slice %arg3[%mul3A_55] : memref<320000xi32, #tpu.memory_space<hbm>> -> memref<2000xi32, #tpu.memory_space<hbm>>
        tpu.enqueue_dma source(%dma_start3A_64 : memref<2000xi32, #tpu.memory_space<hbm>>) target(%arg23 : memref<2000xi32, #tpu.memory_space<vmem>>) target_semaphore(%run_scoped3A : memref<!tpu.dma_semaphore, #tpu.memory_space<semaphore_mem>>)
        %dma_wait3A = tpu.memref_slice %arg3[%mul3A_55] : memref<320000xi32, #tpu.memory_space<hbm>> -> memref<2000xi32, #tpu.memory_space<hbm>>
        %dma_wait3A_65 = tpu.memref_slice %arg3[%mul3A_55] : memref<320000xi32, #tpu.memory_space<hbm>> -> memref<2000xi32, #tpu.memory_space<hbm>>
        tpu.wait_dma2 semaphore(%run_scoped3A : memref<!tpu.dma_semaphore, #tpu.memory_space<semaphore_mem>>) src(%dma_wait3A_65 : memref<2000xi32, #tpu.memory_space<hbm>>) dst(%arg23 : memref<2000xi32, #tpu.memory_space<vmem>>)
        tpu.yield
      }) : () -> ()
      %scan3A_56 = arith.constant 0 : i32
      %scan3A_57 = arith.constant 0 : i32
      %scan3A_58 = arith.constant 125 : i32
      %scan3A_59 = arith.addi %scan3A_57, %scan3A_58 : i32
      %scan3A_60 = arith.constant 1 : i32
      %scan3A_61 = scf.for %scan3A_64 = %scan3A_57 to %scan3A_59 step %scan3A_60 iter_args(%scan3A_65 = %scan3A_56) -> (i32)  : i32 {
        %mul3A_66 = arith.constant 16 : i32
        %mul3A_67 = arith.muli %scan3A_64, %mul3A_66 : i32
        %get3A_68 = arith.index_cast %mul3A_67 : i32 to index
        %get3A_69 = tpu.vector_load %arg22[%get3A_68] {strides = array<i32>} : memref<2000xi32, #tpu.memory_space<vmem>>, vector<16xi32>,
        %mul3A_70 = arith.constant 16 : i32
        %mul3A_71 = arith.muli %scan3A_64, %mul3A_70 : i32
        %get3A_72 = arith.index_cast %mul3A_71 : i32 to index
        %get3A_73 = tpu.vector_load %arg23[%get3A_72] {strides = array<i32>} : memref<2000xi32, #tpu.memory_space<vmem>>, vector<16xi32>,
        %gather3A = tpu.vector_load_idx %arg10[%get3A_69] : memref<10240xf32, #tpu.memory_space<vmem>>[vector<16xi32>], vector<16xf32>,
        %gather3A_74 = tpu.vector_load_idx %arg11[%get3A_73] : memref<10240xf32, #tpu.memory_space<vmem>>[vector<16xi32>], vector<16xf32>,
        %add3A_75 = arith.addf %gather3A, %gather3A_74 : vector<16xf32>
        %mul3A_76 = arith.constant 2.000000e-01 : f32
        %mul3A_77 = vector.broadcast %mul3A_76 : f32 to vector<16xf32>
        %mul3A_78 = arith.mulf %mul3A_77, %add3A_75 : vector<16xf32>
        %max3A = arith.maximumf %add3A_75, %mul3A_78 : vector<16xf32>
        %add3A_79 = arith.addf %gather3A_74, %get3A_24 : vector<16xf32>
        %max3A_80 = arith.constant 0.000000e+00 : f32
        %max3A_81 = vector.broadcast %max3A_80 : f32 to vector<16xf32>
        %max3A_82 = arith.maximumf %add3A_79, %max3A_81 : vector<16xf32>
        %sub3A = arith.subf %max3A, %max3A_82 : vector<16xf32>
        %exp3A = math.exp %sub3A : vector<16xf32>
        tpu.vector_store_idx %arg21[%get3A_73], %exp3A {add = true} : memref<10240xf32, #tpu.memory_space<vmem>>[vector<16xi32>], vector<16xf32>,
        %gather3A_83 = tpu.vector_load_idx %arg13[%get3A_69] : memref<10240xf32, #tpu.memory_space<vmem>>[vector<16xi32>], vector<16xf32>,
        %mul3A_84 = arith.mulf %gather3A_83, %exp3A : vector<16xf32>
        tpu.vector_store_idx %arg17[%get3A_73], %mul3A_84 {add = true} : memref<10240xf32, #tpu.memory_space<vmem>>[vector<16xi32>], vector<16xf32>,
        %gather3A_85 = tpu.vector_load_idx %arg14[%get3A_69] : memref<10240xf32, #tpu.memory_space<vmem>>[vector<16xi32>], vector<16xf32>,
        %mul3A_86 = arith.mulf %gather3A_85, %exp3A : vector<16xf32>
        tpu.vector_store_idx %arg18[%get3A_73], %mul3A_86 {add = true} : memref<10240xf32, #tpu.memory_space<vmem>>[vector<16xi32>], vector<16xf32>,
        %gather3A_87 = tpu.vector_load_idx %arg15[%get3A_69] : memref<10240xf32, #tpu.memory_space<vmem>>[vector<16xi32>], vector<16xf32>,
        %mul3A_88 = arith.mulf %gather3A_87, %exp3A : vector<16xf32>
        tpu.vector_store_idx %arg19[%get3A_73], %mul3A_88 {add = true} : memref<10240xf32, #tpu.memory_space<vmem>>[vector<16xi32>], vector<16xf32>,
        %gather3A_89 = tpu.vector_load_idx %arg16[%get3A_69] : memref<10240xf32, #tpu.memory_space<vmem>>[vector<16xi32>], vector<16xf32>,
        %mul3A_90 = arith.mulf %gather3A_89, %exp3A : vector<16xf32>
        tpu.vector_store_idx %arg20[%get3A_73], %mul3A_90 {add = true} : memref<10240xf32, #tpu.memory_space<vmem>>[vector<16xi32>], vector<16xf32>,
        %scan3A_91 = arith.constant 0 : i32
        scf.yield %scan3A_91 : i32
      }
      %scan3A_62 = arith.constant 125 : i32
      %scan3A_63 = arith.constant 0 : i32
      scf.yield %scan3A_63 : i32
    }
    %scan3A_31 = arith.constant 160 : i32
    %mul3A_32 = arith.constant 4 : i32
    %mul3A_33 = arith.muli %add3A, %mul3A_32 : i32
    %add3A_34 = arith.constant 0 : i32
    %add3A_35 = arith.addi %mul3A_33, %add3A_34 : i32
    "tpu.region"() ({
      %run_scoped3A = tpu.sem_alloc : memref<!tpu.dma_semaphore, #tpu.memory_space<semaphore_mem>>
      %dma_start3A = arith.constant 0 : i32
      %dma_start3A_50 = tpu.memref_slice %arg8[%add3A_35, %dma_start3A] : memref<128x10240xf32, #tpu.memory_space<hbm>> -> memref<1x10240xf32, #tpu.memory_space<hbm>>
      %dma_start3A_51 = tpu.memref_squeeze %dma_start3A_50 : memref<1x10240xf32, #tpu.memory_space<hbm>> -> memref<10240xf32, #tpu.memory_space<hbm>>
      %dma_start3A_52 = arith.constant 0 : i32
      %dma_start3A_53 = tpu.memref_slice %arg8[%add3A_35, %dma_start3A_52] : memref<128x10240xf32, #tpu.memory_space<hbm>> -> memref<1x10240xf32, #tpu.memory_space<hbm>>
      %dma_start3A_54 = tpu.memref_squeeze %dma_start3A_53 : memref<1x10240xf32, #tpu.memory_space<hbm>> -> memref<10240xf32, #tpu.memory_space<hbm>>
      tpu.enqueue_dma source(%arg17 : memref<10240xf32, #tpu.memory_space<vmem>>) target(%dma_start3A_54 : memref<10240xf32, #tpu.memory_space<hbm>>) target_semaphore(%run_scoped3A : memref<!tpu.dma_semaphore, #tpu.memory_space<semaphore_mem>>)
      %dma_wait3A = arith.constant 0 : i32
      %dma_wait3A_55 = tpu.memref_slice %arg8[%add3A_35, %dma_wait3A] : memref<128x10240xf32, #tpu.memory_space<hbm>> -> memref<1x10240xf32, #tpu.memory_space<hbm>>
      %dma_wait3A_56 = tpu.memref_squeeze %dma_wait3A_55 : memref<1x10240xf32, #tpu.memory_space<hbm>> -> memref<10240xf32, #tpu.memory_space<hbm>>
      %dma_wait3A_57 = arith.constant 0 : i32
      %dma_wait3A_58 = tpu.memref_slice %arg8[%add3A_35, %dma_wait3A_57] : memref<128x10240xf32, #tpu.memory_space<hbm>> -> memref<1x10240xf32, #tpu.memory_space<hbm>>
      %dma_wait3A_59 = tpu.memref_squeeze %dma_wait3A_58 : memref<1x10240xf32, #tpu.memory_space<hbm>> -> memref<10240xf32, #tpu.memory_space<hbm>>
      tpu.wait_dma2 semaphore(%run_scoped3A : memref<!tpu.dma_semaphore, #tpu.memory_space<semaphore_mem>>) src(%arg17 : memref<10240xf32, #tpu.memory_space<vmem>>) dst(%dma_wait3A_59 : memref<10240xf32, #tpu.memory_space<hbm>>)
      tpu.yield
    }) : () -> ()
    %mul3A_36 = arith.constant 4 : i32
    %mul3A_37 = arith.muli %add3A, %mul3A_36 : i32
    %add3A_38 = arith.constant 1 : i32
    %add3A_39 = arith.addi %mul3A_37, %add3A_38 : i32
    "tpu.region"() ({
      %run_scoped3A = tpu.sem_alloc : memref<!tpu.dma_semaphore, #tpu.memory_space<semaphore_mem>>
      %dma_start3A = arith.constant 0 : i32
      %dma_start3A_50 = tpu.memref_slice %arg8[%add3A_39, %dma_start3A] : memref<128x10240xf32, #tpu.memory_space<hbm>> -> memref<1x10240xf32, #tpu.memory_space<hbm>>
      %dma_start3A_51 = tpu.memref_squeeze %dma_start3A_50 : memref<1x10240xf32, #tpu.memory_space<hbm>> -> memref<10240xf32, #tpu.memory_space<hbm>>
      %dma_start3A_52 = arith.constant 0 : i32
      %dma_start3A_53 = tpu.memref_slice %arg8[%add3A_39, %dma_start3A_52] : memref<128x10240xf32, #tpu.memory_space<hbm>> -> memref<1x10240xf32, #tpu.memory_space<hbm>>
      %dma_start3A_54 = tpu.memref_squeeze %dma_start3A_53 : memref<1x10240xf32, #tpu.memory_space<hbm>> -> memref<10240xf32, #tpu.memory_space<hbm>>
      tpu.enqueue_dma source(%arg18 : memref<10240xf32, #tpu.memory_space<vmem>>) target(%dma_start3A_54 : memref<10240xf32, #tpu.memory_space<hbm>>) target_semaphore(%run_scoped3A : memref<!tpu.dma_semaphore, #tpu.memory_space<semaphore_mem>>)
      %dma_wait3A = arith.constant 0 : i32
      %dma_wait3A_55 = tpu.memref_slice %arg8[%add3A_39, %dma_wait3A] : memref<128x10240xf32, #tpu.memory_space<hbm>> -> memref<1x10240xf32, #tpu.memory_space<hbm>>
      %dma_wait3A_56 = tpu.memref_squeeze %dma_wait3A_55 : memref<1x10240xf32, #tpu.memory_space<hbm>> -> memref<10240xf32, #tpu.memory_space<hbm>>
      %dma_wait3A_57 = arith.constant 0 : i32
      %dma_wait3A_58 = tpu.memref_slice %arg8[%add3A_39, %dma_wait3A_57] : memref<128x10240xf32, #tpu.memory_space<hbm>> -> memref<1x10240xf32, #tpu.memory_space<hbm>>
      %dma_wait3A_59 = tpu.memref_squeeze %dma_wait3A_58 : memref<1x10240xf32, #tpu.memory_space<hbm>> -> memref<10240xf32, #tpu.memory_space<hbm>>
      tpu.wait_dma2 semaphore(%run_scoped3A : memref<!tpu.dma_semaphore, #tpu.memory_space<semaphore_mem>>) src(%arg18 : memref<10240xf32, #tpu.memory_space<vmem>>) dst(%dma_wait3A_59 : memref<10240xf32, #tpu.memory_space<hbm>>)
      tpu.yield
    }) : () -> ()
    %mul3A_40 = arith.constant 4 : i32
    %mul3A_41 = arith.muli %add3A, %mul3A_40 : i32
    %add3A_42 = arith.constant 2 : i32
    %add3A_43 = arith.addi %mul3A_41, %add3A_42 : i32
    "tpu.region"() ({
      %run_scoped3A = tpu.sem_alloc : memref<!tpu.dma_semaphore, #tpu.memory_space<semaphore_mem>>
      %dma_start3A = arith.constant 0 : i32
      %dma_start3A_50 = tpu.memref_slice %arg8[%add3A_43, %dma_start3A] : memref<128x10240xf32, #tpu.memory_space<hbm>> -> memref<1x10240xf32, #tpu.memory_space<hbm>>
      %dma_start3A_51 = tpu.memref_squeeze %dma_start3A_50 : memref<1x10240xf32, #tpu.memory_space<hbm>> -> memref<10240xf32, #tpu.memory_space<hbm>>
      %dma_start3A_52 = arith.constant 0 : i32
      %dma_start3A_53 = tpu.memref_slice %arg8[%add3A_43, %dma_start3A_52] : memref<128x10240xf32, #tpu.memory_space<hbm>> -> memref<1x10240xf32, #tpu.memory_space<hbm>>
      %dma_start3A_54 = tpu.memref_squeeze %dma_start3A_53 : memref<1x10240xf32, #tpu.memory_space<hbm>> -> memref<10240xf32, #tpu.memory_space<hbm>>
      tpu.enqueue_dma source(%arg19 : memref<10240xf32, #tpu.memory_space<vmem>>) target(%dma_start3A_54 : memref<10240xf32, #tpu.memory_space<hbm>>) target_semaphore(%run_scoped3A : memref<!tpu.dma_semaphore, #tpu.memory_space<semaphore_mem>>)
      %dma_wait3A = arith.constant 0 : i32
      %dma_wait3A_55 = tpu.memref_slice %arg8[%add3A_43, %dma_wait3A] : memref<128x10240xf32, #tpu.memory_space<hbm>> -> memref<1x10240xf32, #tpu.memory_space<hbm>>
      %dma_wait3A_56 = tpu.memref_squeeze %dma_wait3A_55 : memref<1x10240xf32, #tpu.memory_space<hbm>> -> memref<10240xf32, #tpu.memory_space<hbm>>
      %dma_wait3A_57 = arith.constant 0 : i32
      %dma_wait3A_58 = tpu.memref_slice %arg8[%add3A_43, %dma_wait3A_57] : memref<128x10240xf32, #tpu.memory_space<hbm>> -> memref<1x10240xf32, #tpu.memory_space<hbm>>
      %dma_wait3A_59 = tpu.memref_squeeze %dma_wait3A_58 : memref<1x10240xf32, #tpu.memory_space<hbm>> -> memref<10240xf32, #tpu.memory_space<hbm>>
      tpu.wait_dma2 semaphore(%run_scoped3A : memref<!tpu.dma_semaphore, #tpu.memory_space<semaphore_mem>>) src(%arg19 : memref<10240xf32, #tpu.memory_space<vmem>>) dst(%dma_wait3A_59 : memref<10240xf32, #tpu.memory_space<hbm>>)
      tpu.yield
    }) : () -> ()
    %mul3A_44 = arith.constant 4 : i32
    %mul3A_45 = arith.muli %add3A, %mul3A_44 : i32
    %add3A_46 = arith.constant 3 : i32
    %add3A_47 = arith.addi %mul3A_45, %add3A_46 : i32
    "tpu.region"() ({
      %run_scoped3A = tpu.sem_alloc : memref<!tpu.dma_semaphore, #tpu.memory_space<semaphore_mem>>
      %dma_start3A = arith.constant 0 : i32
      %dma_start3A_50 = tpu.memref_slice %arg8[%add3A_47, %dma_start3A] : memref<128x10240xf32, #tpu.memory_space<hbm>> -> memref<1x10240xf32, #tpu.memory_space<hbm>>
      %dma_start3A_51 = tpu.memref_squeeze %dma_start3A_50 : memref<1x10240xf32, #tpu.memory_space<hbm>> -> memref<10240xf32, #tpu.memory_space<hbm>>
      %dma_start3A_52 = arith.constant 0 : i32
      %dma_start3A_53 = tpu.memref_slice %arg8[%add3A_47, %dma_start3A_52] : memref<128x10240xf32, #tpu.memory_space<hbm>> -> memref<1x10240xf32, #tpu.memory_space<hbm>>
      %dma_start3A_54 = tpu.memref_squeeze %dma_start3A_53 : memref<1x10240xf32, #tpu.memory_space<hbm>> -> memref<10240xf32, #tpu.memory_space<hbm>>
      tpu.enqueue_dma source(%arg20 : memref<10240xf32, #tpu.memory_space<vmem>>) target(%dma_start3A_54 : memref<10240xf32, #tpu.memory_space<hbm>>) target_semaphore(%run_scoped3A : memref<!tpu.dma_semaphore, #tpu.memory_space<semaphore_mem>>)
      %dma_wait3A = arith.constant 0 : i32
      %dma_wait3A_55 = tpu.memref_slice %arg8[%add3A_47, %dma_wait3A] : memref<128x10240xf32, #tpu.memory_space<hbm>> -> memref<1x10240xf32, #tpu.memory_space<hbm>>
      %dma_wait3A_56 = tpu.memref_squeeze %dma_wait3A_55 : memref<1x10240xf32, #tpu.memory_space<hbm>> -> memref<10240xf32, #tpu.memory_space<hbm>>
      %dma_wait3A_57 = arith.constant 0 : i32
      %dma_wait3A_58 = tpu.memref_slice %arg8[%add3A_47, %dma_wait3A_57] : memref<128x10240xf32, #tpu.memory_space<hbm>> -> memref<1x10240xf32, #tpu.memory_space<hbm>>
      %dma_wait3A_59 = tpu.memref_squeeze %dma_wait3A_58 : memref<1x10240xf32, #tpu.memory_space<hbm>> -> memref<10240xf32, #tpu.memory_space<hbm>>
      tpu.wait_dma2 semaphore(%run_scoped3A : memref<!tpu.dma_semaphore, #tpu.memory_space<semaphore_mem>>) src(%arg20 : memref<10240xf32, #tpu.memory_space<vmem>>) dst(%dma_wait3A_59 : memref<10240xf32, #tpu.memory_space<hbm>>)
      tpu.yield
    }) : () -> ()
    %eq3A = arith.constant 0 : i32
    %eq3A_48 = arith.cmpi eq, %add3A, %eq3A : i32
    %convert_element_type3A = arith.extui %eq3A_48 : i1 to i32
    %cond3A = arith.constant 0 : i32
    %cond3A_49 = arith.cmpi ne, %convert_element_type3A, %cond3A : i32
    scf.if %cond3A_49 {
      "tpu.region"() ({
        %run_scoped3A = tpu.sem_alloc : memref<!tpu.dma_semaphore, #tpu.memory_space<semaphore_mem>>
        tpu.enqueue_dma source(%arg21 : memref<10240xf32, #tpu.memory_space<vmem>>) target(%arg9 : memref<10240xf32, #tpu.memory_space<hbm>>) target_semaphore(%run_scoped3A : memref<!tpu.dma_semaphore, #tpu.memory_space<semaphore_mem>>)
        tpu.wait_dma2 semaphore(%run_scoped3A : memref<!tpu.dma_semaphore, #tpu.memory_space<semaphore_mem>>) src(%arg21 : memref<10240xf32, #tpu.memory_space<vmem>>) dst(%arg9 : memref<10240xf32, #tpu.memory_space<hbm>>)
        tpu.yield
      }) : () -> ()
    } else {
    }
    return
  }
}

#map = affine_map<(d0, d1) -> (0)>
#map1 = affine_map<(d0, d1) -> (0, 0)>
module attributes {stable_mosaic.version = 14 : i64} {
  func.func @_sc_body(%arg0: i32, %arg1: i32, %arg2: memref<320000xi32, #tpu.memory_space<hbm>>, %arg3: memref<320000xi32, #tpu.memory_space<hbm>>, %arg4: memref<10240xf32, #tpu.memory_space<hbm>>, %arg5: memref<10240xf32, #tpu.memory_space<hbm>>, %arg6: memref<16xf32, #tpu.memory_space<hbm>>, %arg7: memref<128x10240xf32, #tpu.memory_space<hbm>>, %arg8: memref<128x10240xf32, #tpu.memory_space<hbm>>, %arg9: memref<10240xf32, #tpu.memory_space<hbm>>, %arg10: memref<10240xf32, #tpu.memory_space<vmem>>, %arg11: memref<10240xf32, #tpu.memory_space<vmem>>, %arg12: memref<16xf32, #tpu.memory_space<vmem>>, %arg13: memref<10240xf32, #tpu.memory_space<vmem>>, %arg14: memref<10240xf32, #tpu.memory_space<vmem>>, %arg15: memref<10240xf32, #tpu.memory_space<vmem>>, %arg16: memref<10240xf32, #tpu.memory_space<vmem>>, %arg17: memref<10240xf32, #tpu.memory_space<vmem>>, %arg18: memref<10240xf32, #tpu.memory_space<vmem>>, %arg19: memref<10240xf32, #tpu.memory_space<vmem>>, %arg20: memref<10240xf32, #tpu.memory_space<vmem>>, %arg21: memref<10240xf32, #tpu.memory_space<vmem>>, %arg22: memref<2000xi32, #tpu.memory_space<vmem>>, %arg23: memref<2000xi32, #tpu.memory_space<vmem>>) attributes {dimension_semantics = [#tpu.dimension_semantics<core_parallel>, #tpu.dimension_semantics<subcore_parallel>], iteration_bounds = array<i64: 2, 16>, scalar_prefetch = 0 : i64, scratch_operands = 14 : i64, tpu.core_type = #tpu.core_type<sc_vector_subcore>, window_params = [{transform_indices = #map}, {transform_indices = #map}, {transform_indices = #map}, {transform_indices = #map}, {transform_indices = #map}, {transform_indices = #map1}, {transform_indices = #map1}, {transform_indices = #map}]} {
    %mul3A = arith.constant 2 : i32
    %mul3A_0 = arith.muli %arg1, %mul3A : i32
    %add3A = arith.addi %mul3A_0, %arg0 : i32
    "tpu.region"() ({
      %run_scoped3A = tpu.sem_alloc : memref<!tpu.dma_semaphore, #tpu.memory_space<semaphore_mem>>
      tpu.enqueue_dma source(%arg4 : memref<10240xf32, #tpu.memory_space<hbm>>) target(%arg10 : memref<10240xf32, #tpu.memory_space<vmem>>) target_semaphore(%run_scoped3A : memref<!tpu.dma_semaphore, #tpu.memory_space<semaphore_mem>>)
      tpu.wait_dma2 semaphore(%run_scoped3A : memref<!tpu.dma_semaphore, #tpu.memory_space<semaphore_mem>>) src(%arg4 : memref<10240xf32, #tpu.memory_space<hbm>>) dst(%arg10 : memref<10240xf32, #tpu.memory_space<vmem>>)
      tpu.yield
    }) : () -> ()
    "tpu.region"() ({
      %run_scoped3A = tpu.sem_alloc : memref<!tpu.dma_semaphore, #tpu.memory_space<semaphore_mem>>
      tpu.enqueue_dma source(%arg5 : memref<10240xf32, #tpu.memory_space<hbm>>) target(%arg11 : memref<10240xf32, #tpu.memory_space<vmem>>) target_semaphore(%run_scoped3A : memref<!tpu.dma_semaphore, #tpu.memory_space<semaphore_mem>>)
      tpu.wait_dma2 semaphore(%run_scoped3A : memref<!tpu.dma_semaphore, #tpu.memory_space<semaphore_mem>>) src(%arg5 : memref<10240xf32, #tpu.memory_space<hbm>>) dst(%arg11 : memref<10240xf32, #tpu.memory_space<vmem>>)
      tpu.yield
    }) : () -> ()
    "tpu.region"() ({
      %run_scoped3A = tpu.sem_alloc : memref<!tpu.dma_semaphore, #tpu.memory_space<semaphore_mem>>
      tpu.enqueue_dma source(%arg6 : memref<16xf32, #tpu.memory_space<hbm>>) target(%arg12 : memref<16xf32, #tpu.memory_space<vmem>>) target_semaphore(%run_scoped3A : memref<!tpu.dma_semaphore, #tpu.memory_space<semaphore_mem>>)
      tpu.wait_dma2 semaphore(%run_scoped3A : memref<!tpu.dma_semaphore, #tpu.memory_space<semaphore_mem>>) src(%arg6 : memref<16xf32, #tpu.memory_space<hbm>>) dst(%arg12 : memref<16xf32, #tpu.memory_space<vmem>>)
      tpu.yield
    }) : () -> ()
    %mul3A_1 = arith.constant 4 : i32
    %mul3A_2 = arith.muli %add3A, %mul3A_1 : i32
    %add3A_3 = arith.constant 0 : i32
    %add3A_4 = arith.addi %mul3A_2, %add3A_3 : i32
    "tpu.region"() ({
      %run_scoped3A = tpu.sem_alloc : memref<!tpu.dma_semaphore, #tpu.memory_space<semaphore_mem>>
      %dma_start3A = arith.constant 0 : i32
      %dma_start3A_50 = tpu.memref_slice %arg7[%add3A_4, %dma_start3A] : memref<128x10240xf32, #tpu.memory_space<hbm>> -> memref<1x10240xf32, #tpu.memory_space<hbm>>
      %dma_start3A_51 = tpu.memref_squeeze %dma_start3A_50 : memref<1x10240xf32, #tpu.memory_space<hbm>> -> memref<10240xf32, #tpu.memory_space<hbm>>
      %dma_start3A_52 = arith.constant 0 : i32
      %dma_start3A_53 = tpu.memref_slice %arg7[%add3A_4, %dma_start3A_52] : memref<128x10240xf32, #tpu.memory_space<hbm>> -> memref<1x10240xf32, #tpu.memory_space<hbm>>
      %dma_start3A_54 = tpu.memref_squeeze %dma_start3A_53 : memref<1x10240xf32, #tpu.memory_space<hbm>> -> memref<10240xf32, #tpu.memory_space<hbm>>
      tpu.enqueue_dma source(%dma_start3A_54 : memref<10240xf32, #tpu.memory_space<hbm>>) target(%arg13 : memref<10240xf32, #tpu.memory_space<vmem>>) target_semaphore(%run_scoped3A : memref<!tpu.dma_semaphore, #tpu.memory_space<semaphore_mem>>)
      %dma_wait3A = arith.constant 0 : i32
      %dma_wait3A_55 = tpu.memref_slice %arg7[%add3A_4, %dma_wait3A] : memref<128x10240xf32, #tpu.memory_space<hbm>> -> memref<1x10240xf32, #tpu.memory_space<hbm>>
      %dma_wait3A_56 = tpu.memref_squeeze %dma_wait3A_55 : memref<1x10240xf32, #tpu.memory_space<hbm>> -> memref<10240xf32, #tpu.memory_space<hbm>>
      %dma_wait3A_57 = arith.constant 0 : i32
      %dma_wait3A_58 = tpu.memref_slice %arg7[%add3A_4, %dma_wait3A_57] : memref<128x10240xf32, #tpu.memory_space<hbm>> -> memref<1x10240xf32, #tpu.memory_space<hbm>>
      %dma_wait3A_59 = tpu.memref_squeeze %dma_wait3A_58 : memref<1x10240xf32, #tpu.memory_space<hbm>> -> memref<10240xf32, #tpu.memory_space<hbm>>
      tpu.wait_dma2 semaphore(%run_scoped3A : memref<!tpu.dma_semaphore, #tpu.memory_space<semaphore_mem>>) src(%dma_wait3A_59 : memref<10240xf32, #tpu.memory_space<hbm>>) dst(%arg13 : memref<10240xf32, #tpu.memory_space<vmem>>)
      tpu.yield
    }) : () -> ()
    %mul3A_5 = arith.constant 4 : i32
    %mul3A_6 = arith.muli %add3A, %mul3A_5 : i32
    %add3A_7 = arith.constant 1 : i32
    %add3A_8 = arith.addi %mul3A_6, %add3A_7 : i32
    "tpu.region"() ({
      %run_scoped3A = tpu.sem_alloc : memref<!tpu.dma_semaphore, #tpu.memory_space<semaphore_mem>>
      %dma_start3A = arith.constant 0 : i32
      %dma_start3A_50 = tpu.memref_slice %arg7[%add3A_8, %dma_start3A] : memref<128x10240xf32, #tpu.memory_space<hbm>> -> memref<1x10240xf32, #tpu.memory_space<hbm>>
      %dma_start3A_51 = tpu.memref_squeeze %dma_start3A_50 : memref<1x10240xf32, #tpu.memory_space<hbm>> -> memref<10240xf32, #tpu.memory_space<hbm>>
      %dma_start3A_52 = arith.constant 0 : i32
      %dma_start3A_53 = tpu.memref_slice %arg7[%add3A_8, %dma_start3A_52] : memref<128x10240xf32, #tpu.memory_space<hbm>> -> memref<1x10240xf32, #tpu.memory_space<hbm>>
      %dma_start3A_54 = tpu.memref_squeeze %dma_start3A_53 : memref<1x10240xf32, #tpu.memory_space<hbm>> -> memref<10240xf32, #tpu.memory_space<hbm>>
      tpu.enqueue_dma source(%dma_start3A_54 : memref<10240xf32, #tpu.memory_space<hbm>>) target(%arg14 : memref<10240xf32, #tpu.memory_space<vmem>>) target_semaphore(%run_scoped3A : memref<!tpu.dma_semaphore, #tpu.memory_space<semaphore_mem>>)
      %dma_wait3A = arith.constant 0 : i32
      %dma_wait3A_55 = tpu.memref_slice %arg7[%add3A_8, %dma_wait3A] : memref<128x10240xf32, #tpu.memory_space<hbm>> -> memref<1x10240xf32, #tpu.memory_space<hbm>>
      %dma_wait3A_56 = tpu.memref_squeeze %dma_wait3A_55 : memref<1x10240xf32, #tpu.memory_space<hbm>> -> memref<10240xf32, #tpu.memory_space<hbm>>
      %dma_wait3A_57 = arith.constant 0 : i32
      %dma_wait3A_58 = tpu.memref_slice %arg7[%add3A_8, %dma_wait3A_57] : memref<128x10240xf32, #tpu.memory_space<hbm>> -> memref<1x10240xf32, #tpu.memory_space<hbm>>
      %dma_wait3A_59 = tpu.memref_squeeze %dma_wait3A_58 : memref<1x10240xf32, #tpu.memory_space<hbm>> -> memref<10240xf32, #tpu.memory_space<hbm>>
      tpu.wait_dma2 semaphore(%run_scoped3A : memref<!tpu.dma_semaphore, #tpu.memory_space<semaphore_mem>>) src(%dma_wait3A_59 : memref<10240xf32, #tpu.memory_space<hbm>>) dst(%arg14 : memref<10240xf32, #tpu.memory_space<vmem>>)
      tpu.yield
    }) : () -> ()
    %mul3A_9 = arith.constant 4 : i32
    %mul3A_10 = arith.muli %add3A, %mul3A_9 : i32
    %add3A_11 = arith.constant 2 : i32
    %add3A_12 = arith.addi %mul3A_10, %add3A_11 : i32
    "tpu.region"() ({
      %run_scoped3A = tpu.sem_alloc : memref<!tpu.dma_semaphore, #tpu.memory_space<semaphore_mem>>
      %dma_start3A = arith.constant 0 : i32
      %dma_start3A_50 = tpu.memref_slice %arg7[%add3A_12, %dma_start3A] : memref<128x10240xf32, #tpu.memory_space<hbm>> -> memref<1x10240xf32, #tpu.memory_space<hbm>>
      %dma_start3A_51 = tpu.memref_squeeze %dma_start3A_50 : memref<1x10240xf32, #tpu.memory_space<hbm>> -> memref<10240xf32, #tpu.memory_space<hbm>>
      %dma_start3A_52 = arith.constant 0 : i32
      %dma_start3A_53 = tpu.memref_slice %arg7[%add3A_12, %dma_start3A_52] : memref<128x10240xf32, #tpu.memory_space<hbm>> -> memref<1x10240xf32, #tpu.memory_space<hbm>>
      %dma_start3A_54 = tpu.memref_squeeze %dma_start3A_53 : memref<1x10240xf32, #tpu.memory_space<hbm>> -> memref<10240xf32, #tpu.memory_space<hbm>>
      tpu.enqueue_dma source(%dma_start3A_54 : memref<10240xf32, #tpu.memory_space<hbm>>) target(%arg15 : memref<10240xf32, #tpu.memory_space<vmem>>) target_semaphore(%run_scoped3A : memref<!tpu.dma_semaphore, #tpu.memory_space<semaphore_mem>>)
      %dma_wait3A = arith.constant 0 : i32
      %dma_wait3A_55 = tpu.memref_slice %arg7[%add3A_12, %dma_wait3A] : memref<128x10240xf32, #tpu.memory_space<hbm>> -> memref<1x10240xf32, #tpu.memory_space<hbm>>
      %dma_wait3A_56 = tpu.memref_squeeze %dma_wait3A_55 : memref<1x10240xf32, #tpu.memory_space<hbm>> -> memref<10240xf32, #tpu.memory_space<hbm>>
      %dma_wait3A_57 = arith.constant 0 : i32
      %dma_wait3A_58 = tpu.memref_slice %arg7[%add3A_12, %dma_wait3A_57] : memref<128x10240xf32, #tpu.memory_space<hbm>> -> memref<1x10240xf32, #tpu.memory_space<hbm>>
      %dma_wait3A_59 = tpu.memref_squeeze %dma_wait3A_58 : memref<1x10240xf32, #tpu.memory_space<hbm>> -> memref<10240xf32, #tpu.memory_space<hbm>>
      tpu.wait_dma2 semaphore(%run_scoped3A : memref<!tpu.dma_semaphore, #tpu.memory_space<semaphore_mem>>) src(%dma_wait3A_59 : memref<10240xf32, #tpu.memory_space<hbm>>) dst(%arg15 : memref<10240xf32, #tpu.memory_space<vmem>>)
      tpu.yield
    }) : () -> ()
    %mul3A_13 = arith.constant 4 : i32
    %mul3A_14 = arith.muli %add3A, %mul3A_13 : i32
    %add3A_15 = arith.constant 3 : i32
    %add3A_16 = arith.addi %mul3A_14, %add3A_15 : i32
    "tpu.region"() ({
      %run_scoped3A = tpu.sem_alloc : memref<!tpu.dma_semaphore, #tpu.memory_space<semaphore_mem>>
      %dma_start3A = arith.constant 0 : i32
      %dma_start3A_50 = tpu.memref_slice %arg7[%add3A_16, %dma_start3A] : memref<128x10240xf32, #tpu.memory_space<hbm>> -> memref<1x10240xf32, #tpu.memory_space<hbm>>
      %dma_start3A_51 = tpu.memref_squeeze %dma_start3A_50 : memref<1x10240xf32, #tpu.memory_space<hbm>> -> memref<10240xf32, #tpu.memory_space<hbm>>
      %dma_start3A_52 = arith.constant 0 : i32
      %dma_start3A_53 = tpu.memref_slice %arg7[%add3A_16, %dma_start3A_52] : memref<128x10240xf32, #tpu.memory_space<hbm>> -> memref<1x10240xf32, #tpu.memory_space<hbm>>
      %dma_start3A_54 = tpu.memref_squeeze %dma_start3A_53 : memref<1x10240xf32, #tpu.memory_space<hbm>> -> memref<10240xf32, #tpu.memory_space<hbm>>
      tpu.enqueue_dma source(%dma_start3A_54 : memref<10240xf32, #tpu.memory_space<hbm>>) target(%arg16 : memref<10240xf32, #tpu.memory_space<vmem>>) target_semaphore(%run_scoped3A : memref<!tpu.dma_semaphore, #tpu.memory_space<semaphore_mem>>)
      %dma_wait3A = arith.constant 0 : i32
      %dma_wait3A_55 = tpu.memref_slice %arg7[%add3A_16, %dma_wait3A] : memref<128x10240xf32, #tpu.memory_space<hbm>> -> memref<1x10240xf32, #tpu.memory_space<hbm>>
      %dma_wait3A_56 = tpu.memref_squeeze %dma_wait3A_55 : memref<1x10240xf32, #tpu.memory_space<hbm>> -> memref<10240xf32, #tpu.memory_space<hbm>>
      %dma_wait3A_57 = arith.constant 0 : i32
      %dma_wait3A_58 = tpu.memref_slice %arg7[%add3A_16, %dma_wait3A_57] : memref<128x10240xf32, #tpu.memory_space<hbm>> -> memref<1x10240xf32, #tpu.memory_space<hbm>>
      %dma_wait3A_59 = tpu.memref_squeeze %dma_wait3A_58 : memref<1x10240xf32, #tpu.memory_space<hbm>> -> memref<10240xf32, #tpu.memory_space<hbm>>
      tpu.wait_dma2 semaphore(%run_scoped3A : memref<!tpu.dma_semaphore, #tpu.memory_space<semaphore_mem>>) src(%dma_wait3A_59 : memref<10240xf32, #tpu.memory_space<hbm>>) dst(%arg16 : memref<10240xf32, #tpu.memory_space<vmem>>)
      tpu.yield
    }) : () -> ()
    %broadcast_in_dim3A = arith.constant 0.000000e+00 : f32
    %broadcast_in_dim3A_17 = vector.broadcast %broadcast_in_dim3A : f32 to vector<16xf32>
    %scan3A = arith.constant 0 : i32
    %scan3A_18 = arith.constant 0 : i32
    %scan3A_19 = arith.constant 640 : i32
    %scan3A_20 = arith.addi %scan3A_18, %scan3A_19 : i32
    %scan3A_21 = arith.constant 1 : i32
    %scan3A_22 = scf.for %scan3A_50 = %scan3A_18 to %scan3A_20 step %scan3A_21 iter_args(%scan3A_51 = %scan3A) -> (i32)  : i32 {
      %mul3A_52 = arith.constant 16 : i32
      %mul3A_53 = arith.muli %scan3A_50, %mul3A_52 : i32
      %swap3A = arith.index_cast %mul3A_53 : i32 to index
      %swap3A_54 = tpu.vector_load %arg17[%swap3A] {strides = array<i32>} : memref<10240xf32, #tpu.memory_space<vmem>>, vector<16xf32>,
      tpu.vector_store %arg17[%swap3A], %broadcast_in_dim3A_17 {strides = array<i32>} : memref<10240xf32, #tpu.memory_space<vmem>>, vector<16xf32>,
      %mul3A_55 = arith.constant 16 : i32
      %mul3A_56 = arith.muli %scan3A_50, %mul3A_55 : i32
      %swap3A_57 = arith.index_cast %mul3A_56 : i32 to index
      %swap3A_58 = tpu.vector_load %arg18[%swap3A_57] {strides = array<i32>} : memref<10240xf32, #tpu.memory_space<vmem>>, vector<16xf32>,
      tpu.vector_store %arg18[%swap3A_57], %broadcast_in_dim3A_17 {strides = array<i32>} : memref<10240xf32, #tpu.memory_space<vmem>>, vector<16xf32>,
      %mul3A_59 = arith.constant 16 : i32
      %mul3A_60 = arith.muli %scan3A_50, %mul3A_59 : i32
      %swap3A_61 = arith.index_cast %mul3A_60 : i32 to index
      %swap3A_62 = tpu.vector_load %arg19[%swap3A_61] {strides = array<i32>} : memref<10240xf32, #tpu.memory_space<vmem>>, vector<16xf32>,
      tpu.vector_store %arg19[%swap3A_61], %broadcast_in_dim3A_17 {strides = array<i32>} : memref<10240xf32, #tpu.memory_space<vmem>>, vector<16xf32>,
      %mul3A_63 = arith.constant 16 : i32
      %mul3A_64 = arith.muli %scan3A_50, %mul3A_63 : i32
      %swap3A_65 = arith.index_cast %mul3A_64 : i32 to index
      %swap3A_66 = tpu.vector_load %arg20[%swap3A_65] {strides = array<i32>} : memref<10240xf32, #tpu.memory_space<vmem>>, vector<16xf32>,
      tpu.vector_store %arg20[%swap3A_65], %broadcast_in_dim3A_17 {strides = array<i32>} : memref<10240xf32, #tpu.memory_space<vmem>>, vector<16xf32>,
      %mul3A_67 = arith.constant 16 : i32
      %mul3A_68 = arith.muli %scan3A_50, %mul3A_67 : i32
      %swap3A_69 = arith.index_cast %mul3A_68 : i32 to index
      %swap3A_70 = tpu.vector_load %arg21[%swap3A_69] {strides = array<i32>} : memref<10240xf32, #tpu.memory_space<vmem>>, vector<16xf32>,
      tpu.vector_store %arg21[%swap3A_69], %broadcast_in_dim3A_17 {strides = array<i32>} : memref<10240xf32, #tpu.memory_space<vmem>>, vector<16xf32>,
      %scan3A_71 = arith.constant 0 : i32
      scf.yield %scan3A_71 : i32
    }
    %scan3A_23 = arith.constant 640 : i32
    %get3A = arith.constant 0 : index
    %get3A_24 = tpu.vector_load %arg12[%get3A] {strides = array<i32>} : memref<16xf32, #tpu.memory_space<vmem>>, vector<16xf32>,
    %scan3A_25 = arith.constant 0 : i32
    %scan3A_26 = arith.constant 0 : i32
    %scan3A_27 = arith.constant 160 : i32
    %scan3A_28 = arith.addi %scan3A_26, %scan3A_27 : i32
    %scan3A_29 = arith.constant 1 : i32
    %scan3A_30 = scf.for %scan3A_50 = %scan3A_26 to %scan3A_28 step %scan3A_29 iter_args(%scan3A_51 = %scan3A_25) -> (i32)  : i32 {
      %mul3A_52 = arith.constant 2000 : i32
      %mul3A_53 = arith.muli %scan3A_50, %mul3A_52 : i32
      "tpu.region"() ({
        %run_scoped3A = tpu.sem_alloc : memref<!tpu.dma_semaphore, #tpu.memory_space<semaphore_mem>>
        %dma_start3A = tpu.memref_slice %arg2[%mul3A_53] : memref<320000xi32, #tpu.memory_space<hbm>> -> memref<2000xi32, #tpu.memory_space<hbm>>
        %dma_start3A_64 = tpu.memref_slice %arg2[%mul3A_53] : memref<320000xi32, #tpu.memory_space<hbm>> -> memref<2000xi32, #tpu.memory_space<hbm>>
        tpu.enqueue_dma source(%dma_start3A_64 : memref<2000xi32, #tpu.memory_space<hbm>>) target(%arg22 : memref<2000xi32, #tpu.memory_space<vmem>>) target_semaphore(%run_scoped3A : memref<!tpu.dma_semaphore, #tpu.memory_space<semaphore_mem>>)
        %dma_wait3A = tpu.memref_slice %arg2[%mul3A_53] : memref<320000xi32, #tpu.memory_space<hbm>> -> memref<2000xi32, #tpu.memory_space<hbm>>
        %dma_wait3A_65 = tpu.memref_slice %arg2[%mul3A_53] : memref<320000xi32, #tpu.memory_space<hbm>> -> memref<2000xi32, #tpu.memory_space<hbm>>
        tpu.wait_dma2 semaphore(%run_scoped3A : memref<!tpu.dma_semaphore, #tpu.memory_space<semaphore_mem>>) src(%dma_wait3A_65 : memref<2000xi32, #tpu.memory_space<hbm>>) dst(%arg22 : memref<2000xi32, #tpu.memory_space<vmem>>)
        tpu.yield
      }) : () -> ()
      %mul3A_54 = arith.constant 2000 : i32
      %mul3A_55 = arith.muli %scan3A_50, %mul3A_54 : i32
      "tpu.region"() ({
        %run_scoped3A = tpu.sem_alloc : memref<!tpu.dma_semaphore, #tpu.memory_space<semaphore_mem>>
        %dma_start3A = tpu.memref_slice %arg3[%mul3A_55] : memref<320000xi32, #tpu.memory_space<hbm>> -> memref<2000xi32, #tpu.memory_space<hbm>>
        %dma_start3A_64 = tpu.memref_slice %arg3[%mul3A_55] : memref<320000xi32, #tpu.memory_space<hbm>> -> memref<2000xi32, #tpu.memory_space<hbm>>
        tpu.enqueue_dma source(%dma_start3A_64 : memref<2000xi32, #tpu.memory_space<hbm>>) target(%arg23 : memref<2000xi32, #tpu.memory_space<vmem>>) target_semaphore(%run_scoped3A : memref<!tpu.dma_semaphore, #tpu.memory_space<semaphore_mem>>)
        %dma_wait3A = tpu.memref_slice %arg3[%mul3A_55] : memref<320000xi32, #tpu.memory_space<hbm>> -> memref<2000xi32, #tpu.memory_space<hbm>>
        %dma_wait3A_65 = tpu.memref_slice %arg3[%mul3A_55] : memref<320000xi32, #tpu.memory_space<hbm>> -> memref<2000xi32, #tpu.memory_space<hbm>>
        tpu.wait_dma2 semaphore(%run_scoped3A : memref<!tpu.dma_semaphore, #tpu.memory_space<semaphore_mem>>) src(%dma_wait3A_65 : memref<2000xi32, #tpu.memory_space<hbm>>) dst(%arg23 : memref<2000xi32, #tpu.memory_space<vmem>>)
        tpu.yield
      }) : () -> ()
      %scan3A_56 = arith.constant 0 : i32
      %scan3A_57 = arith.constant 0 : i32
      %scan3A_58 = arith.constant 125 : i32
      %scan3A_59 = arith.addi %scan3A_57, %scan3A_58 : i32
      %scan3A_60 = arith.constant 1 : i32
      %scan3A_61 = scf.for %scan3A_64 = %scan3A_57 to %scan3A_59 step %scan3A_60 iter_args(%scan3A_65 = %scan3A_56) -> (i32)  : i32 {
        %mul3A_66 = arith.constant 16 : i32
        %mul3A_67 = arith.muli %scan3A_64, %mul3A_66 : i32
        %get3A_68 = arith.index_cast %mul3A_67 : i32 to index
        %get3A_69 = tpu.vector_load %arg22[%get3A_68] {strides = array<i32>} : memref<2000xi32, #tpu.memory_space<vmem>>, vector<16xi32>,
        %mul3A_70 = arith.constant 16 : i32
        %mul3A_71 = arith.muli %scan3A_64, %mul3A_70 : i32
        %get3A_72 = arith.index_cast %mul3A_71 : i32 to index
        %get3A_73 = tpu.vector_load %arg23[%get3A_72] {strides = array<i32>} : memref<2000xi32, #tpu.memory_space<vmem>>, vector<16xi32>,
        %gather3A = tpu.vector_load_idx %arg10[%get3A_69] : memref<10240xf32, #tpu.memory_space<vmem>>[vector<16xi32>], vector<16xf32>,
        %gather3A_74 = tpu.vector_load_idx %arg11[%get3A_73] : memref<10240xf32, #tpu.memory_space<vmem>>[vector<16xi32>], vector<16xf32>,
        %add3A_75 = arith.addf %gather3A, %gather3A_74 : vector<16xf32>
        %mul3A_76 = arith.constant 2.000000e-01 : f32
        %mul3A_77 = vector.broadcast %mul3A_76 : f32 to vector<16xf32>
        %mul3A_78 = arith.mulf %mul3A_77, %add3A_75 : vector<16xf32>
        %max3A = arith.maximumf %add3A_75, %mul3A_78 : vector<16xf32>
        %add3A_79 = arith.addf %gather3A_74, %get3A_24 : vector<16xf32>
        %max3A_80 = arith.constant 0.000000e+00 : f32
        %max3A_81 = vector.broadcast %max3A_80 : f32 to vector<16xf32>
        %max3A_82 = arith.maximumf %add3A_79, %max3A_81 : vector<16xf32>
        %sub3A = arith.subf %max3A, %max3A_82 : vector<16xf32>
        %exp3A = math.exp %sub3A : vector<16xf32>
        tpu.vector_store_idx %arg21[%get3A_73], %exp3A {add = true} : memref<10240xf32, #tpu.memory_space<vmem>>[vector<16xi32>], vector<16xf32>,
        %gather3A_83 = tpu.vector_load_idx %arg13[%get3A_69] : memref<10240xf32, #tpu.memory_space<vmem>>[vector<16xi32>], vector<16xf32>,
        %mul3A_84 = arith.mulf %gather3A_83, %exp3A : vector<16xf32>
        tpu.vector_store_idx %arg17[%get3A_73], %mul3A_84 {add = true} : memref<10240xf32, #tpu.memory_space<vmem>>[vector<16xi32>], vector<16xf32>,
        %gather3A_85 = tpu.vector_load_idx %arg14[%get3A_69] : memref<10240xf32, #tpu.memory_space<vmem>>[vector<16xi32>], vector<16xf32>,
        %mul3A_86 = arith.mulf %gather3A_85, %exp3A : vector<16xf32>
        tpu.vector_store_idx %arg18[%get3A_73], %mul3A_86 {add = true} : memref<10240xf32, #tpu.memory_space<vmem>>[vector<16xi32>], vector<16xf32>,
        %gather3A_87 = tpu.vector_load_idx %arg15[%get3A_69] : memref<10240xf32, #tpu.memory_space<vmem>>[vector<16xi32>], vector<16xf32>,
        %mul3A_88 = arith.mulf %gather3A_87, %exp3A : vector<16xf32>
        tpu.vector_store_idx %arg19[%get3A_73], %mul3A_88 {add = true} : memref<10240xf32, #tpu.memory_space<vmem>>[vector<16xi32>], vector<16xf32>,
        %gather3A_89 = tpu.vector_load_idx %arg16[%get3A_69] : memref<10240xf32, #tpu.memory_space<vmem>>[vector<16xi32>], vector<16xf32>,
        %mul3A_90 = arith.mulf %gather3A_89, %exp3A : vector<16xf32>
        tpu.vector_store_idx %arg20[%get3A_73], %mul3A_90 {add = true} : memref<10240xf32, #tpu.memory_space<vmem>>[vector<16xi32>], vector<16xf32>,
        %scan3A_91 = arith.constant 0 : i32
        scf.yield %scan3A_91 : i32
      }
      %scan3A_62 = arith.constant 125 : i32
      %scan3A_63 = arith.constant 0 : i32
      scf.yield %scan3A_63 : i32
    }
    %scan3A_31 = arith.constant 160 : i32
    %mul3A_32 = arith.constant 4 : i32
    %mul3A_33 = arith.muli %add3A, %mul3A_32 : i32
    %add3A_34 = arith.constant 0 : i32
    %add3A_35 = arith.addi %mul3A_33, %add3A_34 : i32
    "tpu.region"() ({
      %run_scoped3A = tpu.sem_alloc : memref<!tpu.dma_semaphore, #tpu.memory_space<semaphore_mem>>
      %dma_start3A = arith.constant 0 : i32
      %dma_start3A_50 = tpu.memref_slice %arg8[%add3A_35, %dma_start3A] : memref<128x10240xf32, #tpu.memory_space<hbm>> -> memref<1x10240xf32, #tpu.memory_space<hbm>>
      %dma_start3A_51 = tpu.memref_squeeze %dma_start3A_50 : memref<1x10240xf32, #tpu.memory_space<hbm>> -> memref<10240xf32, #tpu.memory_space<hbm>>
      %dma_start3A_52 = arith.constant 0 : i32
      %dma_start3A_53 = tpu.memref_slice %arg8[%add3A_35, %dma_start3A_52] : memref<128x10240xf32, #tpu.memory_space<hbm>> -> memref<1x10240xf32, #tpu.memory_space<hbm>>
      %dma_start3A_54 = tpu.memref_squeeze %dma_start3A_53 : memref<1x10240xf32, #tpu.memory_space<hbm>> -> memref<10240xf32, #tpu.memory_space<hbm>>
      tpu.enqueue_dma source(%arg17 : memref<10240xf32, #tpu.memory_space<vmem>>) target(%dma_start3A_54 : memref<10240xf32, #tpu.memory_space<hbm>>) target_semaphore(%run_scoped3A : memref<!tpu.dma_semaphore, #tpu.memory_space<semaphore_mem>>)
      %dma_wait3A = arith.constant 0 : i32
      %dma_wait3A_55 = tpu.memref_slice %arg8[%add3A_35, %dma_wait3A] : memref<128x10240xf32, #tpu.memory_space<hbm>> -> memref<1x10240xf32, #tpu.memory_space<hbm>>
      %dma_wait3A_56 = tpu.memref_squeeze %dma_wait3A_55 : memref<1x10240xf32, #tpu.memory_space<hbm>> -> memref<10240xf32, #tpu.memory_space<hbm>>
      %dma_wait3A_57 = arith.constant 0 : i32
      %dma_wait3A_58 = tpu.memref_slice %arg8[%add3A_35, %dma_wait3A_57] : memref<128x10240xf32, #tpu.memory_space<hbm>> -> memref<1x10240xf32, #tpu.memory_space<hbm>>
      %dma_wait3A_59 = tpu.memref_squeeze %dma_wait3A_58 : memref<1x10240xf32, #tpu.memory_space<hbm>> -> memref<10240xf32, #tpu.memory_space<hbm>>
      tpu.wait_dma2 semaphore(%run_scoped3A : memref<!tpu.dma_semaphore, #tpu.memory_space<semaphore_mem>>) src(%arg17 : memref<10240xf32, #tpu.memory_space<vmem>>) dst(%dma_wait3A_59 : memref<10240xf32, #tpu.memory_space<hbm>>)
      tpu.yield
    }) : () -> ()
    %mul3A_36 = arith.constant 4 : i32
    %mul3A_37 = arith.muli %add3A, %mul3A_36 : i32
    %add3A_38 = arith.constant 1 : i32
    %add3A_39 = arith.addi %mul3A_37, %add3A_38 : i32
    "tpu.region"() ({
      %run_scoped3A = tpu.sem_alloc : memref<!tpu.dma_semaphore, #tpu.memory_space<semaphore_mem>>
      %dma_start3A = arith.constant 0 : i32
      %dma_start3A_50 = tpu.memref_slice %arg8[%add3A_39, %dma_start3A] : memref<128x10240xf32, #tpu.memory_space<hbm>> -> memref<1x10240xf32, #tpu.memory_space<hbm>>
      %dma_start3A_51 = tpu.memref_squeeze %dma_start3A_50 : memref<1x10240xf32, #tpu.memory_space<hbm>> -> memref<10240xf32, #tpu.memory_space<hbm>>
      %dma_start3A_52 = arith.constant 0 : i32
      %dma_start3A_53 = tpu.memref_slice %arg8[%add3A_39, %dma_start3A_52] : memref<128x10240xf32, #tpu.memory_space<hbm>> -> memref<1x10240xf32, #tpu.memory_space<hbm>>
      %dma_start3A_54 = tpu.memref_squeeze %dma_start3A_53 : memref<1x10240xf32, #tpu.memory_space<hbm>> -> memref<10240xf32, #tpu.memory_space<hbm>>
      tpu.enqueue_dma source(%arg18 : memref<10240xf32, #tpu.memory_space<vmem>>) target(%dma_start3A_54 : memref<10240xf32, #tpu.memory_space<hbm>>) target_semaphore(%run_scoped3A : memref<!tpu.dma_semaphore, #tpu.memory_space<semaphore_mem>>)
      %dma_wait3A = arith.constant 0 : i32
      %dma_wait3A_55 = tpu.memref_slice %arg8[%add3A_39, %dma_wait3A] : memref<128x10240xf32, #tpu.memory_space<hbm>> -> memref<1x10240xf32, #tpu.memory_space<hbm>>
      %dma_wait3A_56 = tpu.memref_squeeze %dma_wait3A_55 : memref<1x10240xf32, #tpu.memory_space<hbm>> -> memref<10240xf32, #tpu.memory_space<hbm>>
      %dma_wait3A_57 = arith.constant 0 : i32
      %dma_wait3A_58 = tpu.memref_slice %arg8[%add3A_39, %dma_wait3A_57] : memref<128x10240xf32, #tpu.memory_space<hbm>> -> memref<1x10240xf32, #tpu.memory_space<hbm>>
      %dma_wait3A_59 = tpu.memref_squeeze %dma_wait3A_58 : memref<1x10240xf32, #tpu.memory_space<hbm>> -> memref<10240xf32, #tpu.memory_space<hbm>>
      tpu.wait_dma2 semaphore(%run_scoped3A : memref<!tpu.dma_semaphore, #tpu.memory_space<semaphore_mem>>) src(%arg18 : memref<10240xf32, #tpu.memory_space<vmem>>) dst(%dma_wait3A_59 : memref<10240xf32, #tpu.memory_space<hbm>>)
      tpu.yield
    }) : () -> ()
    %mul3A_40 = arith.constant 4 : i32
    %mul3A_41 = arith.muli %add3A, %mul3A_40 : i32
    %add3A_42 = arith.constant 2 : i32
    %add3A_43 = arith.addi %mul3A_41, %add3A_42 : i32
    "tpu.region"() ({
      %run_scoped3A = tpu.sem_alloc : memref<!tpu.dma_semaphore, #tpu.memory_space<semaphore_mem>>
      %dma_start3A = arith.constant 0 : i32
      %dma_start3A_50 = tpu.memref_slice %arg8[%add3A_43, %dma_start3A] : memref<128x10240xf32, #tpu.memory_space<hbm>> -> memref<1x10240xf32, #tpu.memory_space<hbm>>
      %dma_start3A_51 = tpu.memref_squeeze %dma_start3A_50 : memref<1x10240xf32, #tpu.memory_space<hbm>> -> memref<10240xf32, #tpu.memory_space<hbm>>
      %dma_start3A_52 = arith.constant 0 : i32
      %dma_start3A_53 = tpu.memref_slice %arg8[%add3A_43, %dma_start3A_52] : memref<128x10240xf32, #tpu.memory_space<hbm>> -> memref<1x10240xf32, #tpu.memory_space<hbm>>
      %dma_start3A_54 = tpu.memref_squeeze %dma_start3A_53 : memref<1x10240xf32, #tpu.memory_space<hbm>> -> memref<10240xf32, #tpu.memory_space<hbm>>
      tpu.enqueue_dma source(%arg19 : memref<10240xf32, #tpu.memory_space<vmem>>) target(%dma_start3A_54 : memref<10240xf32, #tpu.memory_space<hbm>>) target_semaphore(%run_scoped3A : memref<!tpu.dma_semaphore, #tpu.memory_space<semaphore_mem>>)
      %dma_wait3A = arith.constant 0 : i32
      %dma_wait3A_55 = tpu.memref_slice %arg8[%add3A_43, %dma_wait3A] : memref<128x10240xf32, #tpu.memory_space<hbm>> -> memref<1x10240xf32, #tpu.memory_space<hbm>>
      %dma_wait3A_56 = tpu.memref_squeeze %dma_wait3A_55 : memref<1x10240xf32, #tpu.memory_space<hbm>> -> memref<10240xf32, #tpu.memory_space<hbm>>
      %dma_wait3A_57 = arith.constant 0 : i32
      %dma_wait3A_58 = tpu.memref_slice %arg8[%add3A_43, %dma_wait3A_57] : memref<128x10240xf32, #tpu.memory_space<hbm>> -> memref<1x10240xf32, #tpu.memory_space<hbm>>
      %dma_wait3A_59 = tpu.memref_squeeze %dma_wait3A_58 : memref<1x10240xf32, #tpu.memory_space<hbm>> -> memref<10240xf32, #tpu.memory_space<hbm>>
      tpu.wait_dma2 semaphore(%run_scoped3A : memref<!tpu.dma_semaphore, #tpu.memory_space<semaphore_mem>>) src(%arg19 : memref<10240xf32, #tpu.memory_space<vmem>>) dst(%dma_wait3A_59 : memref<10240xf32, #tpu.memory_space<hbm>>)
      tpu.yield
    }) : () -> ()
    %mul3A_44 = arith.constant 4 : i32
    %mul3A_45 = arith.muli %add3A, %mul3A_44 : i32
    %add3A_46 = arith.constant 3 : i32
    %add3A_47 = arith.addi %mul3A_45, %add3A_46 : i32
    "tpu.region"() ({
      %run_scoped3A = tpu.sem_alloc : memref<!tpu.dma_semaphore, #tpu.memory_space<semaphore_mem>>
      %dma_start3A = arith.constant 0 : i32
      %dma_start3A_50 = tpu.memref_slice %arg8[%add3A_47, %dma_start3A] : memref<128x10240xf32, #tpu.memory_space<hbm>> -> memref<1x10240xf32, #tpu.memory_space<hbm>>
      %dma_start3A_51 = tpu.memref_squeeze %dma_start3A_50 : memref<1x10240xf32, #tpu.memory_space<hbm>> -> memref<10240xf32, #tpu.memory_space<hbm>>
      %dma_start3A_52 = arith.constant 0 : i32
      %dma_start3A_53 = tpu.memref_slice %arg8[%add3A_47, %dma_start3A_52] : memref<128x10240xf32, #tpu.memory_space<hbm>> -> memref<1x10240xf32, #tpu.memory_space<hbm>>
      %dma_start3A_54 = tpu.memref_squeeze %dma_start3A_53 : memref<1x10240xf32, #tpu.memory_space<hbm>> -> memref<10240xf32, #tpu.memory_space<hbm>>
      tpu.enqueue_dma source(%arg20 : memref<10240xf32, #tpu.memory_space<vmem>>) target(%dma_start3A_54 : memref<10240xf32, #tpu.memory_space<hbm>>) target_semaphore(%run_scoped3A : memref<!tpu.dma_semaphore, #tpu.memory_space<semaphore_mem>>)
      %dma_wait3A = arith.constant 0 : i32
      %dma_wait3A_55 = tpu.memref_slice %arg8[%add3A_47, %dma_wait3A] : memref<128x10240xf32, #tpu.memory_space<hbm>> -> memref<1x10240xf32, #tpu.memory_space<hbm>>
      %dma_wait3A_56 = tpu.memref_squeeze %dma_wait3A_55 : memref<1x10240xf32, #tpu.memory_space<hbm>> -> memref<10240xf32, #tpu.memory_space<hbm>>
      %dma_wait3A_57 = arith.constant 0 : i32
      %dma_wait3A_58 = tpu.memref_slice %arg8[%add3A_47, %dma_wait3A_57] : memref<128x10240xf32, #tpu.memory_space<hbm>> -> memref<1x10240xf32, #tpu.memory_space<hbm>>
      %dma_wait3A_59 = tpu.memref_squeeze %dma_wait3A_58 : memref<1x10240xf32, #tpu.memory_space<hbm>> -> memref<10240xf32, #tpu.memory_space<hbm>>
      tpu.wait_dma2 semaphore(%run_scoped3A : memref<!tpu.dma_semaphore, #tpu.memory_space<semaphore_mem>>) src(%arg20 : memref<10240xf32, #tpu.memory_space<vmem>>) dst(%dma_wait3A_59 : memref<10240xf32, #tpu.memory_space<hbm>>)
      tpu.yield
    }) : () -> ()
    %eq3A = arith.constant 0 : i32
    %eq3A_48 = arith.cmpi eq, %add3A, %eq3A : i32
    %convert_element_type3A = arith.extui %eq3A_48 : i1 to i32
    %cond3A = arith.constant 0 : i32
    %cond3A_49 = arith.cmpi ne, %convert_element_type3A, %cond3A : i32
    scf.if %cond3A_49 {
      "tpu.region"() ({
        %run_scoped3A = tpu.sem_alloc : memref<!tpu.dma_semaphore, #tpu.memory_space<semaphore_mem>>
        tpu.enqueue_dma source(%arg21 : memref<10240xf32, #tpu.memory_space<vmem>>) target(%arg9 : memref<10240xf32, #tpu.memory_space<hbm>>) target_semaphore(%run_scoped3A : memref<!tpu.dma_semaphore, #tpu.memory_space<semaphore_mem>>)
        tpu.wait_dma2 semaphore(%run_scoped3A : memref<!tpu.dma_semaphore, #tpu.memory_space<semaphore_mem>>) src(%arg21 : memref<10240xf32, #tpu.memory_space<vmem>>) dst(%arg9 : memref<10240xf32, #tpu.memory_space<hbm>>)
        tpu.yield
      }) : () -> ()
    } else {
    }
    return
  }
}

module attributes {stable_mosaic.version = 14 : i64} {
  func.func @_pre_body(%arg0: memref<128x10240xf32, #tpu.memory_space<vmem>>, %arg1: memref<128x128xf32, #tpu.memory_space<vmem>>, %arg2: memref<128x1xf32, #tpu.memory_space<vmem>>, %arg3: memref<128x1xf32, #tpu.memory_space<vmem>>, %arg4: memref<128x10240xf32, #tpu.memory_space<vmem>>, %arg5: memref<1x10240xf32, #tpu.memory_space<vmem>>, %arg6: memref<1x10240xf32, #tpu.memory_space<vmem>>, %arg7: memref<8x128xf32, #tpu.memory_space<vmem>>, %arg8: memref<1x10240xf32, #tpu.memory_space<vmem>>) attributes {dimension_semantics = [], scalar_prefetch = 0 : i64, scratch_operands = 0 : i64, tpu.core_type = #tpu.core_type<tc>} {
    %get3A = arith.constant 0 : index
    %get3A_0 = arith.constant 0 : index
    %get3A_1 = vector.load %arg0[%get3A, %get3A_0] : memref<128x10240xf32, #tpu.memory_space<vmem>>, vector<128x10240xf32>
    %get3A_2 = arith.constant 0 : index
    %get3A_3 = arith.constant 0 : index
    %get3A_4 = vector.load %arg1[%get3A_2, %get3A_3] : memref<128x128xf32, #tpu.memory_space<vmem>>, vector<128x128xf32>
    %dot_general3A = arith.constant dense<0.000000e+00> : vector<128x10240xf32>
    %dot_general3A_5 = tpu.matmul %get3A_4, %get3A_1, %dot_general3A {dimension_numbers = #tpu.dot_dimension_numbers<[0], [0], [1], [1], [0, 1, 1, 1], [], []>, transpose_lhs_hint = false} : vector<128x128xf32>, vector<128x10240xf32>, vector<128x10240xf32> -> vector<128x10240xf32>
    %swap3A = arith.constant 0 : index
    %swap3A_6 = arith.constant 0 : index
    %swap3A_7 = vector.load %arg4[%swap3A, %swap3A_6] : memref<128x10240xf32, #tpu.memory_space<vmem>>, vector<128x10240xf32>
    tpu.vector_store %arg4[%swap3A, %swap3A_6], %dot_general3A_5 {strides = array<i32>} : memref<128x10240xf32, #tpu.memory_space<vmem>>, vector<128x10240xf32>,
    %get3A_8 = arith.constant 0 : index
    %get3A_9 = arith.constant 0 : index
    %get3A_10 = vector.load %arg2[%get3A_8, %get3A_9] : memref<128x1xf32, #tpu.memory_space<vmem>>, vector<128x1xf32>
    %mul3A = vector.broadcast %get3A_10 : vector<128x1xf32> to vector<128x10240xf32>
    %mul3A_11 = arith.mulf %dot_general3A_5, %mul3A : vector<128x10240xf32>
    %reduce_sum3A = arith.constant dense<0.000000e+00> : vector<10240xf32>
    %reduce_sum3A_12 = vector.multi_reduction <add>, %mul3A_11, %reduce_sum3A [0] : vector<128x10240xf32> to vector<10240xf32>
    %broadcast_in_dim3A = vector.shape_cast %reduce_sum3A_12 : vector<10240xf32> to vector<1x10240xf32>
    %get3A_13 = arith.constant 0 : index
    %get3A_14 = arith.constant 0 : index
    %get3A_15 = vector.load %arg3[%get3A_13, %get3A_14] : memref<128x1xf32, #tpu.memory_space<vmem>>, vector<128x1xf32>
    %mul3A_16 = vector.broadcast %get3A_15 : vector<128x1xf32> to vector<128x10240xf32>
    %mul3A_17 = arith.mulf %dot_general3A_5, %mul3A_16 : vector<128x10240xf32>
    %reduce_sum3A_18 = arith.constant dense<0.000000e+00> : vector<10240xf32>
    %reduce_sum3A_19 = vector.multi_reduction <add>, %mul3A_17, %reduce_sum3A_18 [0] : vector<128x10240xf32> to vector<10240xf32>
    %broadcast_in_dim3A_20 = vector.shape_cast %reduce_sum3A_19 : vector<10240xf32> to vector<1x10240xf32>
    %swap3A_21 = arith.constant 0 : index
    %swap3A_22 = arith.constant 0 : index
    %swap3A_23 = vector.load %arg5[%swap3A_21, %swap3A_22] : memref<1x10240xf32, #tpu.memory_space<vmem>>, vector<1x10240xf32>
    tpu.vector_store %arg5[%swap3A_21, %swap3A_22], %broadcast_in_dim3A {strides = array<i32>} : memref<1x10240xf32, #tpu.memory_space<vmem>>, vector<1x10240xf32>,
    %swap3A_24 = arith.constant 0 : index
    %swap3A_25 = arith.constant 0 : index
    %swap3A_26 = vector.load %arg6[%swap3A_24, %swap3A_25] : memref<1x10240xf32, #tpu.memory_space<vmem>>, vector<1x10240xf32>
    tpu.vector_store %arg6[%swap3A_24, %swap3A_25], %broadcast_in_dim3A_20 {strides = array<i32>} : memref<1x10240xf32, #tpu.memory_space<vmem>>, vector<1x10240xf32>,
    %reduce_max3A = vector.shape_cast %broadcast_in_dim3A : vector<1x10240xf32> to vector<1x1x10240xf32>
    %reduce_max3A_27 = arith.constant dense<0xFF800000> : vector<1xf32>
    %reduce_max3A_28 = vector.multi_reduction <maximumf>, %reduce_max3A, %reduce_max3A_27 [1, 2] : vector<1x1x10240xf32> to vector<1xf32>
    %reduce_max3A_29 = vector.shape_cast %reduce_max3A_28 : vector<1xf32> to vector<1x1x1xf32>
    %reduce_max3A_30 = vector.extract %reduce_max3A_29[0, 0, 0] : f32 from vector<1x1x1xf32>
    %broadcast_in_dim3A_31 = vector.broadcast %reduce_max3A_30 : f32 to vector<8x128xf32>
    %swap3A_32 = arith.constant 0 : index
    %swap3A_33 = arith.constant 0 : index
    %swap3A_34 = vector.load %arg7[%swap3A_32, %swap3A_33] : memref<8x128xf32, #tpu.memory_space<vmem>>, vector<8x128xf32>
    tpu.vector_store %arg7[%swap3A_32, %swap3A_33], %broadcast_in_dim3A_31 {strides = array<i32>} : memref<8x128xf32, #tpu.memory_space<vmem>>, vector<8x128xf32>,
    %add3A = vector.broadcast %reduce_max3A_30 : f32 to vector<1x10240xf32>
    %add3A_35 = arith.addf %broadcast_in_dim3A_20, %add3A : vector<1x10240xf32>
    %max3A = arith.constant 0.000000e+00 : f32
    %max3A_36 = vector.broadcast %max3A : f32 to vector<1x10240xf32>
    %max3A_37 = arith.maximumf %add3A_35, %max3A_36 : vector<1x10240xf32>
    %add3A_38 = arith.addf %broadcast_in_dim3A, %broadcast_in_dim3A_20 : vector<1x10240xf32>
    %mul3A_39 = arith.constant 2.000000e-01 : f32
    %mul3A_40 = vector.broadcast %mul3A_39 : f32 to vector<1x10240xf32>
    %mul3A_41 = arith.mulf %mul3A_40, %add3A_38 : vector<1x10240xf32>
    %max3A_42 = arith.maximumf %add3A_38, %mul3A_41 : vector<1x10240xf32>
    %sub3A = arith.subf %max3A_42, %max3A_37 : vector<1x10240xf32>
    %exp3A = math.exp %sub3A : vector<1x10240xf32>
    %swap3A_43 = arith.constant 0 : index
    %swap3A_44 = arith.constant 0 : index
    %swap3A_45 = vector.load %arg8[%swap3A_43, %swap3A_44] : memref<1x10240xf32, #tpu.memory_space<vmem>>, vector<1x10240xf32>
    tpu.vector_store %arg8[%swap3A_43, %swap3A_44], %exp3A {strides = array<i32>} : memref<1x10240xf32, #tpu.memory_space<vmem>>, vector<1x10240xf32>,
    return
  }
}

module attributes {stable_mosaic.version = 14 : i64} {
  func.func @_post_body(%arg0: memref<128x10240xf32, #tpu.memory_space<vmem>>, %arg1: memref<128x10240xf32, #tpu.memory_space<vmem>>, %arg2: memref<1x10240xf32, #tpu.memory_space<vmem>>, %arg3: memref<1x10240xf32, #tpu.memory_space<vmem>>, %arg4: memref<128x1xf32, #tpu.memory_space<vmem>>, %arg5: memref<128x1xf32, #tpu.memory_space<vmem>>, %arg6: memref<128x1xf32, #tpu.memory_space<vmem>>, %arg7: memref<128x10240xf32, #tpu.memory_space<vmem>>) attributes {dimension_semantics = [], scalar_prefetch = 0 : i64, scratch_operands = 0 : i64, tpu.core_type = #tpu.core_type<tc>} {
    %get3A = arith.constant 0 : index
    %get3A_0 = arith.constant 0 : index
    %get3A_1 = vector.load %arg3[%get3A, %get3A_0] : memref<1x10240xf32, #tpu.memory_space<vmem>>, vector<1x10240xf32>
    %get3A_2 = arith.constant 0 : index
    %get3A_3 = arith.constant 0 : index
    %get3A_4 = vector.load %arg2[%get3A_2, %get3A_3] : memref<1x10240xf32, #tpu.memory_space<vmem>>, vector<1x10240xf32>
    %add3A = arith.addf %get3A_4, %get3A_1 : vector<1x10240xf32>
    %get3A_5 = arith.constant 0 : index
    %get3A_6 = arith.constant 0 : index
    %get3A_7 = vector.load %arg1[%get3A_5, %get3A_6] : memref<128x10240xf32, #tpu.memory_space<vmem>>, vector<128x10240xf32>
    %get3A_8 = arith.constant 0 : index
    %get3A_9 = arith.constant 0 : index
    %get3A_10 = vector.load %arg0[%get3A_8, %get3A_9] : memref<128x10240xf32, #tpu.memory_space<vmem>>, vector<128x10240xf32>
    %mul3A = vector.broadcast %get3A_1 : vector<1x10240xf32> to vector<128x10240xf32>
    %mul3A_11 = arith.mulf %mul3A, %get3A_10 : vector<128x10240xf32>
    %add3A_12 = arith.addf %get3A_7, %mul3A_11 : vector<128x10240xf32>
    %add3A_13 = arith.constant 1.000000e-16 : f32
    %add3A_14 = vector.broadcast %add3A_13 : f32 to vector<1x10240xf32>
    %add3A_15 = arith.addf %add3A, %add3A_14 : vector<1x10240xf32>
    %div3A = vector.broadcast %add3A_15 : vector<1x10240xf32> to vector<128x10240xf32>
    %div3A_16 = arith.divf %add3A_12, %div3A : vector<128x10240xf32>
    %get3A_17 = arith.constant 0 : index
    %get3A_18 = arith.constant 0 : index
    %get3A_19 = vector.load %arg4[%get3A_17, %get3A_18] : memref<128x1xf32, #tpu.memory_space<vmem>>, vector<128x1xf32>
    %add3A_20 = vector.broadcast %get3A_19 : vector<128x1xf32> to vector<128x10240xf32>
    %add3A_21 = arith.addf %div3A_16, %add3A_20 : vector<128x10240xf32>
    %iota3A = tpu.iota {dimensions = array<i32: 1>} : vector<1x10240xi32>
    %lt3A = arith.constant 10000 : i32
    %lt3A_22 = vector.broadcast %lt3A : i32 to vector<1x10240xi32>
    %lt3A_23 = arith.cmpi slt, %iota3A, %lt3A_22 : vector<1x10240xi32>
    %jit3A = arith.constant 0.000000e+00 : f32
    %broadcast_in_dim3A = vector.shape_cast %lt3A_23 : vector<1x10240xi1> to vector<1x10240xi1>
    %broadcast_in_dim3A_24 = vector.broadcast %broadcast_in_dim3A : vector<1x10240xi1> to vector<128x10240xi1>
    %broadcast_in_dim3A_25 = vector.broadcast %jit3A : f32 to vector<128x10240xf32>
    %select_n3A = arith.select %broadcast_in_dim3A_24, %add3A_21, %broadcast_in_dim3A_25 : vector<128x10240xi1>, vector<128x10240xf32>
    %reduce_sum3A = arith.constant dense<0.000000e+00> : vector<128xf32>
    %reduce_sum3A_26 = vector.multi_reduction <add>, %select_n3A, %reduce_sum3A [1] : vector<128x10240xf32> to vector<128xf32>
    %broadcast_in_dim3A_27 = vector.shape_cast %reduce_sum3A_26 : vector<128xf32> to vector<128x1xf32>
    %mul3A_28 = arith.constant 9.99999974E-5 : f32
    %mul3A_29 = vector.broadcast %mul3A_28 : f32 to vector<128x1xf32>
    %mul3A_30 = arith.mulf %broadcast_in_dim3A_27, %mul3A_29 : vector<128x1xf32>
    %sub3A = vector.broadcast %mul3A_30 : vector<128x1xf32> to vector<128x10240xf32>
    %sub3A_31 = arith.subf %add3A_21, %sub3A : vector<128x10240xf32>
    %jit3A_32 = arith.constant 0.000000e+00 : f32
    %broadcast_in_dim3A_33 = vector.shape_cast %lt3A_23 : vector<1x10240xi1> to vector<1x10240xi1>
    %broadcast_in_dim3A_34 = vector.broadcast %broadcast_in_dim3A_33 : vector<1x10240xi1> to vector<128x10240xi1>
    %broadcast_in_dim3A_35 = vector.broadcast %jit3A_32 : f32 to vector<128x10240xf32>
    %select_n3A_36 = arith.select %broadcast_in_dim3A_34, %sub3A_31, %broadcast_in_dim3A_35 : vector<128x10240xi1>, vector<128x10240xf32>
    %mul3A_37 = arith.mulf %select_n3A_36, %select_n3A_36 : vector<128x10240xf32>
    %reduce_sum3A_38 = arith.constant dense<0.000000e+00> : vector<128xf32>
    %reduce_sum3A_39 = vector.multi_reduction <add>, %mul3A_37, %reduce_sum3A_38 [1] : vector<128x10240xf32> to vector<128xf32>
    %broadcast_in_dim3A_40 = vector.shape_cast %reduce_sum3A_39 : vector<128xf32> to vector<128x1xf32>
    %mul3A_41 = arith.constant 9.99999974E-5 : f32
    %mul3A_42 = vector.broadcast %mul3A_41 : f32 to vector<128x1xf32>
    %mul3A_43 = arith.mulf %broadcast_in_dim3A_40, %mul3A_42 : vector<128x1xf32>
    %get3A_44 = arith.constant 0 : index
    %get3A_45 = arith.constant 0 : index
    %get3A_46 = vector.load %arg5[%get3A_44, %get3A_45] : memref<128x1xf32, #tpu.memory_space<vmem>>, vector<128x1xf32>
    %sub3A_47 = vector.broadcast %mul3A_30 : vector<128x1xf32> to vector<128x10240xf32>
    %sub3A_48 = arith.subf %add3A_21, %sub3A_47 : vector<128x10240xf32>
    %mul3A_49 = vector.broadcast %get3A_46 : vector<128x1xf32> to vector<128x10240xf32>
    %mul3A_50 = arith.mulf %mul3A_49, %sub3A_48 : vector<128x10240xf32>
    %add3A_51 = arith.constant 9.99999974E-6 : f32
    %add3A_52 = vector.broadcast %add3A_51 : f32 to vector<128x1xf32>
    %add3A_53 = arith.addf %mul3A_43, %add3A_52 : vector<128x1xf32>
    %rsqrt3A = math.rsqrt %add3A_53 : vector<128x1xf32>
    %mul3A_54 = vector.broadcast %rsqrt3A : vector<128x1xf32> to vector<128x10240xf32>
    %mul3A_55 = arith.mulf %mul3A_50, %mul3A_54 : vector<128x10240xf32>
    %get3A_56 = arith.constant 0 : index
    %get3A_57 = arith.constant 0 : index
    %get3A_58 = vector.load %arg6[%get3A_56, %get3A_57] : memref<128x1xf32, #tpu.memory_space<vmem>>, vector<128x1xf32>
    %add3A_59 = vector.broadcast %get3A_58 : vector<128x1xf32> to vector<128x10240xf32>
    %add3A_60 = arith.addf %mul3A_55, %add3A_59 : vector<128x10240xf32>
    %max3A = arith.constant 0.000000e+00 : f32
    %max3A_61 = vector.broadcast %max3A : f32 to vector<128x10240xf32>
    %max3A_62 = arith.maximumf %add3A_60, %max3A_61 : vector<128x10240xf32>
    %jit3A_63 = arith.constant 0.000000e+00 : f32
    %broadcast_in_dim3A_64 = vector.shape_cast %lt3A_23 : vector<1x10240xi1> to vector<1x10240xi1>
    %broadcast_in_dim3A_65 = vector.broadcast %broadcast_in_dim3A_64 : vector<1x10240xi1> to vector<128x10240xi1>
    %broadcast_in_dim3A_66 = vector.broadcast %jit3A_63 : f32 to vector<128x10240xf32>
    %select_n3A_67 = arith.select %broadcast_in_dim3A_65, %max3A_62, %broadcast_in_dim3A_66 : vector<128x10240xi1>, vector<128x10240xf32>
    %swap3A = arith.constant 0 : index
    %swap3A_68 = arith.constant 0 : index
    %swap3A_69 = vector.load %arg7[%swap3A, %swap3A_68] : memref<128x10240xf32, #tpu.memory_space<vmem>>, vector<128x10240xf32>
    tpu.vector_store %arg7[%swap3A, %swap3A_68], %select_n3A_67 {strides = array<i32>} : memref<128x10240xf32, #tpu.memory_space<vmem>>, vector<128x10240xf32>,
    return
  }
}

module attributes {stable_mosaic.version = 14 : i64} {
  func.func @_mlp_body(%arg0: memref<128x10240xf32, #tpu.memory_space<vmem>>, %arg1: memref<128x128xf32, #tpu.memory_space<vmem>>, %arg2: memref<128x1xf32, #tpu.memory_space<vmem>>, %arg3: memref<128x128xf32, #tpu.memory_space<vmem>>, %arg4: memref<128x1xf32, #tpu.memory_space<vmem>>, %arg5: memref<128x10240xf32, #tpu.memory_space<vmem>>) attributes {dimension_semantics = [], scalar_prefetch = 0 : i64, scratch_operands = 0 : i64, tpu.core_type = #tpu.core_type<tc>} {
    %get3A = arith.constant 0 : index
    %get3A_0 = arith.constant 0 : index
    %get3A_1 = vector.load %arg0[%get3A, %get3A_0] : memref<128x10240xf32, #tpu.memory_space<vmem>>, vector<128x10240xf32>
    %get3A_2 = arith.constant 0 : index
    %get3A_3 = arith.constant 0 : index
    %get3A_4 = vector.load %arg1[%get3A_2, %get3A_3] : memref<128x128xf32, #tpu.memory_space<vmem>>, vector<128x128xf32>
    %dot_general3A = arith.constant dense<0.000000e+00> : vector<128x10240xf32>
    %dot_general3A_5 = tpu.matmul %get3A_4, %get3A_1, %dot_general3A {dimension_numbers = #tpu.dot_dimension_numbers<[1], [0], [0], [1], [0, 0, 1, 1], [], []>, transpose_lhs_hint = false} : vector<128x128xf32>, vector<128x10240xf32>, vector<128x10240xf32> -> vector<128x10240xf32>
    %get3A_6 = arith.constant 0 : index
    %get3A_7 = arith.constant 0 : index
    %get3A_8 = vector.load %arg2[%get3A_6, %get3A_7] : memref<128x1xf32, #tpu.memory_space<vmem>>, vector<128x1xf32>
    %add3A = vector.broadcast %get3A_8 : vector<128x1xf32> to vector<128x10240xf32>
    %add3A_9 = arith.addf %dot_general3A_5, %add3A : vector<128x10240xf32>
    %max3A = arith.constant 0.000000e+00 : f32
    %max3A_10 = vector.broadcast %max3A : f32 to vector<128x10240xf32>
    %max3A_11 = arith.maximumf %add3A_9, %max3A_10 : vector<128x10240xf32>
    %dot_general3A_12 = arith.constant dense<0.000000e+00> : vector<128x10240xf32>
    %dot_general3A_13 = tpu.matmul %get3A_4, %max3A_11, %dot_general3A_12 {dimension_numbers = #tpu.dot_dimension_numbers<[1], [0], [0], [1], [0, 0, 1, 1], [], []>, transpose_lhs_hint = false} : vector<128x128xf32>, vector<128x10240xf32>, vector<128x10240xf32> -> vector<128x10240xf32>
    %get3A_14 = arith.constant 0 : index
    %get3A_15 = arith.constant 0 : index
    %get3A_16 = vector.load %arg2[%get3A_14, %get3A_15] : memref<128x1xf32, #tpu.memory_space<vmem>>, vector<128x1xf32>
    %add3A_17 = vector.broadcast %get3A_16 : vector<128x1xf32> to vector<128x10240xf32>
    %add3A_18 = arith.addf %dot_general3A_13, %add3A_17 : vector<128x10240xf32>
    %max3A_19 = arith.constant 0.000000e+00 : f32
    %max3A_20 = vector.broadcast %max3A_19 : f32 to vector<128x10240xf32>
    %max3A_21 = arith.maximumf %add3A_18, %max3A_20 : vector<128x10240xf32>
    %get3A_22 = arith.constant 0 : index
    %get3A_23 = arith.constant 0 : index
    %get3A_24 = vector.load %arg3[%get3A_22, %get3A_23] : memref<128x128xf32, #tpu.memory_space<vmem>>, vector<128x128xf32>
    %dot_general3A_25 = arith.constant dense<0.000000e+00> : vector<128x10240xf32>
    %dot_general3A_26 = tpu.matmul %get3A_24, %max3A_21, %dot_general3A_25 {dimension_numbers = #tpu.dot_dimension_numbers<[1], [0], [0], [1], [0, 0, 1, 1], [], []>, transpose_lhs_hint = false} : vector<128x128xf32>, vector<128x10240xf32>, vector<128x10240xf32> -> vector<128x10240xf32>
    %get3A_27 = arith.constant 0 : index
    %get3A_28 = arith.constant 0 : index
    %get3A_29 = vector.load %arg4[%get3A_27, %get3A_28] : memref<128x1xf32, #tpu.memory_space<vmem>>, vector<128x1xf32>
    %add3A_30 = vector.broadcast %get3A_29 : vector<128x1xf32> to vector<128x10240xf32>
    %add3A_31 = arith.addf %dot_general3A_26, %add3A_30 : vector<128x10240xf32>
    %swap3A = arith.constant 0 : index
    %swap3A_32 = arith.constant 0 : index
    %swap3A_33 = vector.load %arg5[%swap3A, %swap3A_32] : memref<128x10240xf32, #tpu.memory_space<vmem>>, vector<128x10240xf32>
    tpu.vector_store %arg5[%swap3A, %swap3A_32], %add3A_31 {strides = array<i32>} : memref<128x10240xf32, #tpu.memory_space<vmem>>, vector<128x10240xf32>,
    return
  }
}

</mosaic_0001>

<sc_bundles>
// kernel: kernel.12.cloned.1.call-start
scs
__scs_entry_jumppad:
0x0: {  	(pc) =	sbr.rel $0x88, $3  }
0x1: {  	(tag) =	ssettag $0x0;
	lr =	simm.s32 $0x1  }
0x2: {  	[smem:$0x3F89] =	sst lr;
	_ =	strace $0xD0000000  }
0x3: {  	_ = 	snop  }
0x4: {  	_ = 	snop  }
0x5: {  	_ = 	snop  }
0x6: {  	_ = 	snop  }
0x7: {  	_ = 	snop  }
__scs_overlays_trampoline_lowered:
0x8: {  	[smem:$0x3F98] =	sst s0  }
0x9: {  	[smem:$0x3F99] =	sst s1  }
0xa: {  	[smem:$0x3F9A] =	sst s2  }
0xb: {  	[smem:$0x3F9B] =	sst s3  }
0xc: {  	[smem:$0x3F9C] =	sst s4  }
0xd: {  	[smem:$0x3F9D] =	sst s5  }
0xe: {  	[smem:$0x3F9E] =	sst s6  }
0xf: {  	[smem:$0x3F9F] =	sst s7  }
0x10: {  	[smem:$0x3FA0] =	sst s8  }
0x11: {  	[smem:$0x3FA1] =	sst s9;
	s0 =	simm.s32 @!p0 $0x0  }
0x12: {  	s1 =	sld [smem:$0x3F87];
	s0 =	simm.s32 @p0 $0x1  }
0x13: {  	[smem:$0x3FA2] =	sst s0;
	s0 =	simm.s32 @!p1 $0x0  }
0x14: {  	s2 =	sld [smem:$0x3F86];
	s0 =	simm.s32 @p1 $0x1  }
0x15: {  	[smem:$0x3FA3] =	sst s0;
	s0 =	simm.s32 @!p2 $0x0  }
0x16: {  	s3 =	sld [smem:$0x3FDB];
	s0 =	simm.s32 @p2 $0x1  }
0x17: {  	s4 =	simm.s32 $0x1BF5;
	[smem:$0x3FA5] =	sst s0  }
0x18: {  	s0 =	sld [smem:$0x3F88];
	_ =	swait.ge [sflag:s4], $0x0  }
0x19: {  	s7 =	sld [smem:$0x3F89]  }
0x1a: {  	s8 =	sadd.s32 $0xFFFFE003, lr  }
0x1b: {  	s9 =	sadd.s32 $0xFFFFFEF7, lr;
	s5 =	simm.s32 $0xFFFFFFFF;
	p2 =	slt.u32 s8, $0xFFFFF086  }
0x1c: {  	p1 =	slt.u32 s9, $0xF7A;
	s5 =	simm.s32 @!p2 $0x0  }
0x1d: {  	s5 =	simm.s32 @p1 $0x1;
	p0 =	seq.s32 s7, s2  }
0x1e: {  	s7 =	smul.u32 @!p0 $0xF7A, s2;
	p2 =	seq.s32 @!p0 s5, $0x0  }
0x1f: {  	s9 =	smul.u32 $0xF7A, s1;
	s8 =	simm.s32 @!p0 $0x1BF5;
	p2 =	por !p2, p0  }
0x20: {  	[sflag:s8] =	ssyncset.s32 @!p0 $0xFFFFF086;
	s6 =	sadd.s32 @!p0 s3, s7;
	s7 =	simm.s32 @!p0 $0x108  }
0x21: {  	s3 =	sadd.s32 s3, s9;
	s6 =	sadd.s32 @!p0 $0x88, s6;
	s7 =	simm.s32 @p2 $0x1082  }
0x22: {  	[simem:s7], [sflag:s8] =	dma.local @!p0 [hbm:s6], $0xF7A  }
0x23: {  	s9 =	sor.u32 $0xD0000000, s2;
	s6 =	simm.s32 $0x108;
	_ =	swait.ge @!p0 [sflag:s8], $0x0  }
0x24: {  	s3 =	sadd.s32 $0x88, s3;
	s6 =	simm.s32 @!p1 $0x1082;
	[sflag:s4] =	ssyncset.s32 $0xFFFFF086  }
0x25: {  	[simem:s6], [sflag:s4] =	dma.local [hbm:s3], $0xF7A  }
0x26: {  	[smem:$0x3F89] =	sst s1;
	(tag) =	ssettag s2;
	_ =	strace s9  }
0x27: {  	s1 =	sld [smem:$0x3F99]  }
0x28: {  	s2 =	sld [smem:$0x3F9A]  }
0x29: {  	s4 =	sld [smem:$0x3F9C]  }
0x2a: {  	p0 =	seq.s32 s5, $0x0;
	s5 =	sld [smem:$0x3F9D]  }
0x2b: {  	s6 =	sld [smem:$0x3F9E]  }
0x2c: {  	s7 =	sld [smem:$0x3F9F]  }
0x2d: {  	s3 =	simm.s32 $0x108;
	s8 =	sld [smem:$0x3FA0]  }
0x2e: {  	s3 =	simm.s32 @!p0 $0x1082;
	s9 =	sld [smem:$0x3FA1]  }
0x2f: {  	lr =	sadd.s32 s0, s3;
	s0 =	sld [smem:$0x3F98]  }
0x30: {  	s3 =	sld [smem:$0x3F9B]  }
0x31: {  	[smem:$0x3FA4] =	sst s10  }
0x32: {  	s10 =	sld [smem:$0x3FA2];
	_ =	sdelay $0x3  }
0x33: {  	p0 =	seq.s32 s10, $0x1;
	s10 =	sld [smem:$0x3FA4];
	_ =	sdelay $0x3  }
0x34: {  	[smem:$0x3FA4] =	sst s10  }
0x35: {  	s10 =	sld [smem:$0x3FA3];
	_ =	sdelay $0x3  }
0x36: {  	p1 =	seq.s32 s10, $0x1;
	s10 =	sld [smem:$0x3FA4];
	_ =	sdelay $0x3  }
0x37: {  	[smem:$0x3FA4] =	sst s10  }
0x38: {  	s10 =	sld [smem:$0x3FA5]  }
0x39: {  	_ = 	snop;
	(pc) =	sbr.ind lr, $3  }
0x3a: {  	_ = 	snop  }
0x3b: {  	_ = 	snop  }
0x3c: {  	p2 =	seq.s32 s10, $0x1;
	s10 =	sld [smem:$0x3FA4]  }
0x3d: {  	_ =	shalt  }
0x3e: {  	_ =	shalt  }
0x3f: {  	_ =	shalt  }
0x40: {  	_ =	shalt  }
0x41: {  	_ =	shalt  }
0x42: {  	_ =	shalt  }
0x43: {  	_ =	shalt  }
0x44: {  	_ =	shalt  }
0x45: {  	_ =	shalt  }
0x46: {  	_ =	shalt  }
0x47: {  	_ =	shalt  }
0x48: {  	_ =	shalt  }
0x49: {  	_ =	shalt  }
0x4a: {  	_ =	shalt  }
0x4b: {  	_ =	shalt  }
0x4c: {  	_ =	shalt  }
0x4d: {  	_ =	shalt  }
0x4e: {  	_ =	shalt  }
0x4f: {  	_ =	shalt  }
0x50: {  	_ =	shalt  }
0x51: {  	_ =	shalt  }
0x52: {  	_ =	shalt  }
0x53: {  	_ =	shalt  }
0x54: {  	_ =	shalt  }
0x55: {  	_ =	shalt  }
0x56: {  	_ =	shalt  }
0x57: {  	_ =	shalt  }
0x58: {  	_ =	shalt  }
0x59: {  	_ =	shalt  }
0x5a: {  	_ =	shalt  }
0x5b: {  	_ =	shalt  }
0x5c: {  	_ =	shalt  }
0x5d: {  	_ =	shalt  }
0x5e: {  	_ =	shalt  }
0x5f: {  	_ =	shalt  }
0x60: {  	_ =	shalt  }
0x61: {  	_ =	shalt  }
0x62: {  	_ =	shalt  }
0x63: {  	_ =	shalt  }
0x64: {  	_ =	shalt  }
0x65: {  	_ =	shalt  }
0x66: {  	_ =	shalt  }
0x67: {  	_ =	shalt  }
0x68: {  	_ =	shalt  }
0x69: {  	_ =	shalt  }
0x6a: {  	_ =	shalt  }
0x6b: {  	_ =	shalt  }
0x6c: {  	_ =	shalt  }
0x6d: {  	_ =	shalt  }
0x6e: {  	_ =	shalt  }
0x6f: {  	_ =	shalt  }
0x70: {  	_ =	shalt  }
0x71: {  	_ =	shalt  }
0x72: {  	_ =	shalt  }
0x73: {  	_ =	shalt  }
0x74: {  	_ =	shalt  }
0x75: {  	_ =	shalt  }
0x76: {  	_ =	shalt  }
0x77: {  	_ =	shalt  }
0x78: {  	_ =	shalt  }
0x79: {  	_ =	shalt  }
0x7a: {  	_ =	shalt  }
0x7b: {  	_ =	shalt  }
0x7c: {  	_ =	shalt  }
0x7d: {  	_ =	shalt  }
0x7e: {  	_ =	shalt  }
0x7f: {  	_ =	shalt  }
0x80: {  	_ =	shalt  }
0x81: {  	_ =	shalt  }
0x82: {  	_ =	shalt  }
0x83: {  	_ =	shalt  }
0x84: {  	_ =	shalt  }
0x85: {  	_ =	shalt  }
0x86: {  	_ =	shalt  }
0x87: {  	_ =	shalt  }
.Lfunc_end0:
.L_simem_size_0:
called_computation_lowered:
.L_overlay_start_0:
0x88: {  	s2 =	sld [smem:$0x3FD9]  }
0x89: {  	s3 =	sld [smem:$0x3FFE];
	_ =	sdelay $0x1  }
0x8a: {  	s1 =	srdreg.scid  }
0x8b: {  	s0 =	sand.u32 $0x1, s1  }
0x8c: {  	s17 =	sshll.u32 s0, $0xA;
	s2 =	sadd.s32 s3, s2  }
0x8d: {  	s2 =	sadd.s32 s2, s17  }
0x8e: {  	[smem:$0x3FB0] =	sst s2  }
0x8f: {  	_ = 	snop  }
0x90: {  	s2 =	sld [smem:$0x3FD0];
	(tm) =	ssettm $0x1  }
0x91: {  	s18 =	sld [smem:$0x3FFB];
	_ =	sdelay $0x3  }
0x92: {  	_ =	strace s18  }
0x93: {  	s3 =	sld [smem:$0x3FFC];
	_ =	sdelay $0x3  }
0x94: {  	_ =	strace s3  }
0x95: {  	s3 =	sld [smem:$0x3FFD];
	_ =	sdelay $0x3  }
0x96: {  	_ =	strace s3  }
0x97: {  	_ =	strace $0x8FFFFFFF  }
0x98: {  	s19 =	sld [smem:$0x3FDB];
	_ =	sdelay $0x1  }
0x99: {  	s4 =	simm.s32 $_scs_section_size  }
0x9a: {  	s5 =	simm.s32 $_size__tile_overlayer_lowered;
	s6 =	simm.s32 $_tile_overlayer_lowered  }
0x9b: {  	s22 =	simm.s32 $0x1BFF;
	s21 =	sshll.u32 s6, $0x1;
	s3 =	sadd.s32 s4, s19  }
0x9c: {  	s7 =	simm.s32 $0x0;
	s20 =	sshll.u32 s5, $0x1;
	s5 =	sadd.s32 s21, s3  }
0x9d: {  	[timem:s7], [sflag:s22] =	dma.local [hbm:s5], s20  }
0x9e: {  	_ =	swait.ge [sflag:s22], s20  }
0x9f: {  	s4 =	ssub.s32 $0x0, s20;
	[sflag:s22] =	ssyncset.done $0x0  }
0xa0: {  	[sflag:s22] =	ssyncadd.s32 s4;
	_ =	sdelay $0x1  }
0xa1: {  	s23 =	simm.s32 $0x1B8B  }
0xa2: {  	_ =	swait.ge [sflag:s23], $0x1  }
0xa3: {  	[sflag:s23] =	ssyncset.done $0x0  }
0xa4: {  	s25 =	simm.s32 $0x1B8E;
	s24 =	sld [smem:$0x3FFE];
	[sflag:s23] =	ssyncadd.s32 $0xFFFFFFFF  }
0xa5: {  	s26 =	simm.s32 $execute0_lowered;
	[smem:$0x3FD2] =	sst s25  }
0xa6: {  	s5 =	sshll.u32 s26, $0x1;
	_ =	strace $0x80000046;
	[dreg:$0x1] =	wrdreg $0xFFFFFFFF  }
0xa7: {  	s28 =	simm.s32 $_size_execute0_lowered;
	s3 =	sadd.s32 s3, s5;
	[dreg:$0x0] =	wrdreg $0x0  }
0xa8: {  	s5 =	sshll.u32 s28, $0x1;
	[dreg:$0x2] =	wrdreg s3  }
0xa9: {  	[dreg:$0x3] =	wrdreg s5  }
0xaa: {  	[dreg:$0x4] =	wrdreg $0xC0  }
0xab: {  	_ =	task [dreg:s7], $0x5FFFF  }
0xac: {  	[dreg:$0x1] =	wrdreg $0xFFFFFFFF  }
0xad: {  	[dreg:$0x0] =	wrdreg $0x60  }
0xae: {  	[dreg:$0x2] =	wrdreg s24  }
0xaf: {  	[dreg:$0x3] =	wrdreg s2  }
0xb0: {  	[dreg:$0x4] =	wrdreg $0x9  }
0xb1: {  	_ =	task.clear_ibuf [dreg:s7], $0x5FFFF;
	_ =	strace $0x90000046  }
0xb2: {  	s29 =	simm.s32 $0x9;
	_ =	strace $0x80000048  }
0xb3: {  	_ =	swait.ge [sflag:s29], $0x1  }
0xb4: {  	[sflag:s29] =	ssyncadd.s32 $0xFFFFFFFF  }
0xb5: {  	_ =	strace $0x90000048  }
0xb6: {  	_ =	sfence  }
0xb7: {  	s30 =	sld [smem:$0x0];
	_ =	sdelay $0x2  }
0xb8: {  	s31 =	sshll.u32 s1, $0xD;
	s1 =	sshrl.u32 s1, $0x2  }
0xb9: {  	s3 =	sand.u32 $0x4000, s31;
	s1 =	sadd.s32 s1, s30  }
0xba: {  	s0 =	sor.u32 s3, s0;
	s1 =	sshll.u32 s1, $0x11  }
0xbb: {  	s0 =	sor.u32 s1, s0  }
0xbc: {  	s0 =	sadd.s32 $0x8F2B, s0  }
0xbd: {  	[sflag:s0] =	ssyncadd.remote.s32 $0x1  }
0xbe: {  	_ =	sfence.sel $0xFFFF  }
0xbf: {  	[dreg:$0x0] =	wrdreg $0xFFFFFFFF;
	(pc) =	sbr.abs _section_cstart, $3  }
0xc0: {  	[dreg:$0x1] =	wrdreg $0xFFFFFFFF  }
0xc1: {  	_ =	task.clear_ibuf [dreg:s7], $0x2FFFF;
	_ =	strace $0x9FFFFFFF  }
0xc2: {  	(tm) =	ssettm $0x7FFFFFFF  }
0xc3: {  	_ =	shalt  }
tec
execute0_lowered:
.L_overlay_start_1:
0x0: {  	(tag) =	ssettag $0x1  }
0x1: {  	s0 =	rddreg [dreg:$0x0]  }
0x2: {  	s1 =	rddreg [dreg:$0x1];
	s2 =	simm.s32 $0x0  }
0x3: {  	s3 =	srdreg.scid;
	s17 =	stileid.u32;
	s18 =	simm.s32 $0x1  }
0x4: {  	s19 =	simm.s32 $0x2800;
	s28 =	simm.s32 $0x1B880;
	s29 =	simm.s32 $0x1C080  }
0x5: {  	s30 =	simm.s32 $0x19080;
	s31 =	simm.s32 $0xF080;
	[smem:$0x7FF] =	sst s2  }
0x6: {  	s4 =	sadd.s32 $0x2FC00, s0;
	s5 =	sadd.s32 $0x2EE00, s0;
	s3 =	sand.u32 $0x1, s3  }
0x7: {  	s20 =	smul.u32 $0x14000, s17;
	s6 =	sadd.s32 $0x2F400, s0;
	s21 =	sadd.s32 $0x2FA00, s0  }
0x8: {  	s7 =	sadd.s32 $0x6E00, s0;
	_ =	strace $0x80000047;
	[dreg:$0x3] =	wrdreg s5  }
0x9: {  	s23 =	sadd.s32 $0x39A00, s0;
	s0 =	sadd.s32 $0x61A00, s0;
	[dreg:$0x4] =	wrdreg s6  }
0xa: {  	[dreg:$0x5] =	wrdreg s21;
	s22 =	sshll.u32 s3, $0x9;
	s8 =	ssub.s32 $0x2, s3  }
0xb: {  	[dreg:$0x6] =	wrdreg s0;
	s3 =	sor.u32 s3, s17;
	s21 =	simm.s32 $0x80  }
0xc: {  	s0 =	simm.s32 $0x11880;
	s5 =	sor.u32 s22, s20;
	s9 =	sshrl.u32 s8, $0x1  }
0xd: {  	s22 =	simm.s32 $0x400;
	p0 =	sne.s32 s3, $0x0;
	s3 =	simm.s32 $0x14080  }
0xe: {  	s20 =	simm.s32 $0x16880;
	s5 =	sshrl.u32 s5, $0x3;
	s24 =	ssub.s32 s8, s9  }
0xf: {  	s25 =	sadd.s32 s7, s5;
	s26 =	sor.u32 $0x10, s5;
	s15 =	sor.u32 $0x20, s5  }
0x10: {  	s16 =	sor.u32 $0x30, s5;
	s13 =	sadd.s32 s23, s5;
	s17 =	smax.u32 s24, $0x1  }
0x11: {  	s24 =	simm.s32 $0x7880;
	s5 =	simm.s32 $0x0;
	[dreg:$0x7] =	wrdreg s25  }
0x12: {  	s10 =	sadd.s32 s7, s26;
	s11 =	sadd.s32 s7, s15;
	s12 =	sadd.s32 s7, s16  }
0x13: {  	s14 =	sadd.s32 s23, s26;
	s15 =	sadd.s32 s23, s15;
	s16 =	sadd.s32 s23, s16  }
0x14: {  	v0 =	vimm.f32 $0.0e+00;
	s23 =	simm.s32 $0x5080;
	s25 =	simm.s32 $0xA080;
	s26 =	simm.s32 $0xC880  }
.LBB2_1:
0x15: {  	s6 =	rddreg [dreg:$0x3]  }
0x16: {  	[tilespmem:s2], [sflag:$0x1] =	stream.linear.gather [hbm4b:s6+s2], $0x2800, $0x38;
	[tilespmem:$0x1C880] =	vst v63  }
0x17: {  	_ =	swait.ge [sflag:s18], $0x2800  }
0x18: {  	[sflag:s18] =	ssyncset.done $0x0  }
0x19: {  	s7 =	rddreg [dreg:$0x4];
	[sflag:s18] =	ssyncadd.s32 $0xFFFFD800  }
0x1a: {  	[tilespmem:s19], [sflag:$0x1] =	stream.linear.gather [hbm4b:s7+s2], $0x2800, $0x38;
	[tilespmem:$0x1C880] =	vst v63  }
0x1b: {  	_ =	swait.ge [sflag:s18], $0x2800  }
0x1c: {  	[sflag:s18] =	ssyncset.done $0x0  }
0x1d: {  	s7 =	simm.s32 $0x5000;
	s8 =	rddreg [dreg:$0x5];
	[sflag:s18] =	ssyncadd.s32 $0xFFFFD800  }
0x1e: {  	[tilespmem:s7], [sflag:$0x1] =	stream.linear.gather [hbm4b:s8+s2], $0x80, $0x38;
	[tilespmem:$0x1C880] =	vst v63  }
0x1f: {  	_ =	swait.ge [sflag:s18], $0x80  }
0x20: {  	[sflag:s18] =	ssyncset.done $0x0  }
0x21: {  	s9 =	rddreg [dreg:$0x7];
	[sflag:s18] =	ssyncadd.s32 $0xFFFFFF80  }
0x22: {  	[tilespmem:s23], [sflag:$0x1] =	stream.strided.gather [hbm4b:s9+s21], $0x2800, s22, s21, $0x38;
	[tilespmem:$0x1C880] =	vst v63  }
0x23: {  	_ =	swait.ge [sflag:s18], $0x2800  }
0x24: {  	[sflag:s18] =	ssyncset.done $0x0  }
0x25: {  	[sflag:s18] =	ssyncadd.s32 $0xFFFFD800  }
0x26: {  	[tilespmem:s24], [sflag:$0x1] =	stream.strided.gather [hbm4b:s10+s21], $0x2800, s22, s21, $0x38;
	[tilespmem:$0x1C880] =	vst v63  }
0x27: {  	_ =	swait.ge [sflag:s18], $0x2800  }
0x28: {  	[sflag:s18] =	ssyncset.done $0x0  }
0x29: {  	[sflag:s18] =	ssyncadd.s32 $0xFFFFD800  }
0x2a: {  	[tilespmem:s25], [sflag:$0x1] =	stream.strided.gather [hbm4b:s11+s21], $0x2800, s22, s21, $0x38;
	[tilespmem:$0x1C880] =	vst v63  }
0x2b: {  	_ =	swait.ge [sflag:s18], $0x2800  }
0x2c: {  	[sflag:s18] =	ssyncset.done $0x0  }
0x2d: {  	[sflag:s18] =	ssyncadd.s32 $0xFFFFD800  }
0x2e: {  	[tilespmem:s26], [sflag:$0x1] =	stream.strided.gather [hbm4b:s12+s21], $0x2800, s22, s21, $0x38;
	[tilespmem:$0x1C880] =	vst v63  }
0x2f: {  	_ =	swait.ge [sflag:s18], $0x2800  }
0x30: {  	[sflag:s18] =	ssyncset.done $0x0  }
0x31: {  	s6 =	simm.s32 $0x0;
	s7 =	simm.s32 $0x40;
	[sflag:s18] =	ssyncadd.s32 $0xFFFFD800  }
.LBB2_2:
0x32: {  	p1 =	sne.s32 s7, $0x9FC0;
	[tilespmem:s6+$0x19080] =	vst v0;
	s8 =	smov.u32 s7;
	s7 =	sadd.s32 $0x40, s7  }
.Ltmp0:
0x33: {  	[tilespmem:s6+$0x16880] =	vst v0;
	(pc) =	sbr.rel @p1 .LBB2_2-.Ltmp0, $4  }
0x34: {  	[tilespmem:s6+$0x14080] =	vst v0  }
0x35: {  	[tilespmem:s6+$0xF080] =	vst v0  }
0x36: {  	[tilespmem:s6+$0x11880] =	vst v0  }
0x37: {  	s6 =	sshra.s32 s8, $0x2  }
0x38: {  	[tilespmem:s6+$0x19080] =	vst v0  }
0x39: {  	[tilespmem:s6+$0x16880] =	vst v0  }
0x3a: {  	[tilespmem:s6+$0x14080] =	vst v0  }
0x3b: {  	[tilespmem:s6+$0xF080] =	vst v0  }
0x3c: {  	[tilespmem:s6+$0x11880] =	vst v0  }
0x3d: {  	s6 =	simm.s32 $0x0;
	s7 =	simm.s32 $0x0;
	v1 =	vld [tilespmem:$0x5000]  }
.LBB2_4:
0x3e: {  	s8 =	smul.u32 $0xFA, s7;
	_ =	sdelay $0x1  }
0x3f: {  	s9 =	sadd.s32 s4, s8  }
0x40: {  	[tilespmem:s28], [sflag:$0x1] =	stream.linear.gather [hbm4b:s9+s6], $0x7D0, $0x38;
	[tilespmem:$0x1C880] =	vst v63  }
0x41: {  	_ =	swait.ge [sflag:s18], $0x7D0  }
0x42: {  	[sflag:s18] =	ssyncset.done $0x0  }
0x43: {  	s8 =	sadd.s32 s1, s8;
	[sflag:s18] =	ssyncadd.s32 $0xFFFFF830  }
0x44: {  	[tilespmem:s29], [sflag:$0x1] =	stream.linear.gather [hbm4b:s8+s6], $0x7D0, $0x38;
	[tilespmem:$0x1C880] =	vst v63  }
0x45: {  	_ =	swait.ge [sflag:s18], $0x7D0  }
0x46: {  	[sflag:s18] =	ssyncset.done $0x0  }
0x47: {  	s9 =	simm.s32 $0x0;
	[sflag:s18] =	ssyncadd.s32 $0xFFFFF830  }
0x48: {  	v3 =	vld [tilespmem:s9+$0x1B880]  }
0x49: {  	v2 =	vld [tilespmem:s9+$0x1C080];
	_ =	sdelay $0x6  }
0x4a: {  	v4 =	vld.idx.msk [tilespmem:v3+s2+$0x0], $0xffff  }
0x4b: {  	v5 =	vld.idx.msk [tilespmem:v2+s19+$0x0], $0xffff;
	_ =	sdelay $0x4  }
0x4c: {  	v4 =	vadd.f32 v5, v4;
	_ =	sdelay $0x1  }
0x4d: {  	v5 =	vadd.f32 v5, v1;
	v6 =	vmul.f32 $2.000000030e-01, v4;
	_ =	sdelay $0x1  }
0x4e: {  	v5 =	vmax.f32 v5, $0.0e+00;
	v4 =	vmax.f32 v4, v6  }
0x4f: {  	v4 =	vsub.f32 v4, v5;
	_ =	sdelay $0x1  }
0x50: {  	v4 =	vmul.f32 $1.442695020e+00, v4;
	_ =	sdelay $0x1  }
0x51: {  	(erf) = vpow2.f32 v4;
	_ =	sdelay $0x8  }
0x52: {  	v4 =	vpop (erf)  }
0x53: {  	[tilespmem:v2+s30+$0x0] =	vst.idx.add.f32.msk $0xffff, v4  }
0x54: {  	v5 =	vld.idx.msk [tilespmem:v3+s23+$0x0], $0xffff;
	_ =	sdelay $0x4  }
0x55: {  	v5 =	vmul.f32 v4, v5;
	_ =	sdelay $0x1  }
0x56: {  	[tilespmem:v2+s31+$0x0] =	vst.idx.add.f32.msk $0xffff, v5  }
0x57: {  	v5 =	vld.idx.msk [tilespmem:v3+s24+$0x0], $0xffff;
	_ =	sdelay $0x4  }
0x58: {  	v5 =	vmul.f32 v4, v5;
	_ =	sdelay $0x1  }
0x59: {  	[tilespmem:v2+s0+$0x0] =	vst.idx.add.f32.msk $0xffff, v5  }
0x5a: {  	v5 =	vld.idx.msk [tilespmem:v3+s25+$0x0], $0xffff;
	_ =	sdelay $0x4  }
0x5b: {  	v5 =	vmul.f32 v4, v5;
	_ =	sdelay $0x1  }
0x5c: {  	[tilespmem:v2+s3+$0x0] =	vst.idx.add.f32.msk $0xffff, v5  }
0x5d: {  	v3 =	vld.idx.msk [tilespmem:v3+s26+$0x0], $0xffff;
	_ =	sdelay $0x4  }
0x5e: {  	s8 =	simm.s32 $0x40;
	v3 =	vmul.f32 v3, v4  }
.LBB2_5:
0x5f: {  	p1 =	sne.s32 s8, $0x1F00;
	s9 =	smov.u32 s8;
	s8 =	sadd.s32 $0x40, s8  }
0x60: {  	s9 =	sshra.s32 s9, $0x2;
	[tilespmem:v2+s20+$0x0] =	vst.idx.add.f32.msk $0xffff, v3  }
0x61: {  	v3 =	vld [tilespmem:s9+$0x1B880]  }
0x62: {  	v2 =	vld [tilespmem:s9+$0x1C080];
	_ =	sdelay $0x6  }
0x63: {  	v4 =	vld.idx.msk [tilespmem:v3+s2+$0x0], $0xffff  }
0x64: {  	v5 =	vld.idx.msk [tilespmem:v2+s19+$0x0], $0xffff;
	_ =	sdelay $0x5  }
0x65: {  	v4 =	vadd.f32 v5, v4;
	v5 =	vadd.f32 v5, v1;
	_ =	sdelay $0x1  }
0x66: {  	v6 =	vmul.f32 $2.000000030e-01, v4  }
0x67: {  	v5 =	vmax.f32 v5, $0.0e+00  }
0x68: {  	v4 =	vmax.f32 v4, v6  }
0x69: {  	v4 =	vsub.f32 v4, v5;
	_ =	sdelay $0x1  }
0x6a: {  	v4 =	vmul.f32 $1.442695020e+00, v4;
	_ =	sdelay $0x1  }
0x6b: {  	(erf) = vpow2.f32 v4;
	_ =	sdelay $0x8  }
0x6c: {  	v4 =	vpop (erf)  }
0x6d: {  	[tilespmem:v2+s30+$0x0] =	vst.idx.add.f32.msk $0xffff, v4  }
0x6e: {  	v5 =	vld.idx.msk [tilespmem:v3+s23+$0x0], $0xffff;
	_ =	sdelay $0x5  }
0x6f: {  	v5 =	vmul.f32 v4, v5;
	_ =	sdelay $0x1  }
0x70: {  	[tilespmem:v2+s31+$0x0] =	vst.idx.add.f32.msk $0xffff, v5  }
0x71: {  	v5 =	vld.idx.msk [tilespmem:v3+s24+$0x0], $0xffff;
	_ =	sdelay $0x5  }
0x72: {  	v5 =	vmul.f32 v4, v5;
	_ =	sdelay $0x1  }
0x73: {  	[tilespmem:v2+s0+$0x0] =	vst.idx.add.f32.msk $0xffff, v5  }
0x74: {  	v5 =	vld.idx.msk [tilespmem:v3+s25+$0x0], $0xffff;
	_ =	sdelay $0x5  }
0x75: {  	v5 =	vmul.f32 v4, v5;
	_ =	sdelay $0x1  }
0x76: {  	[tilespmem:v2+s3+$0x0] =	vst.idx.add.f32.msk $0xffff, v5  }
0x77: {  	v3 =	vld.idx.msk [tilespmem:v3+s26+$0x0], $0xffff;
	_ =	sdelay $0x1  }
.Ltmp1:
0x78: {  	(pc) =	sbr.rel @p1 .LBB2_5-.Ltmp1, $2  }
0x79: {  	_ =	sdelay $0x2  }
0x7a: {  	v3 =	vmul.f32 v3, v4  }
0x7b: {  	s7 =	sadd.s32 $0x1, s7  }
0x7c: {  	p1 =	sne.s32 s7, $0xA0  }
.Ltmp2:
0x7d: {  	_ = 	snop;
	(pc) =	sbr.rel @p1 .LBB2_4-.Ltmp2, $2  }
0x7e: {  	_ =	sdelay $0x2  }
0x7f: {  	[tilespmem:v2+s20+$0x0] =	vst.idx.add.f32.msk $0xffff, v3  }
0x80: {  	[hbm4b:s13+s21] =	stream.strided.scatter [tilespmem:s31], [sflag:$0x1], $0x2800, s22, s21, $0x38;
	[tilespmem:$0x1C880] =	vst v63  }
0x81: {  	_ =	swait.ge [sflag:s18], $0x2800  }
0x82: {  	[sflag:s18] =	ssyncset.done $0x0  }
0x83: {  	[sflag:s18] =	ssyncadd.s32 $0xFFFFD800  }
0x84: {  	[hbm4b:s14+s21] =	stream.strided.scatter [tilespmem:s0], [sflag:$0x1], $0x2800, s22, s21, $0x38;
	[tilespmem:$0x1C880] =	vst v63  }
0x85: {  	_ =	swait.ge [sflag:s18], $0x2800  }
0x86: {  	[sflag:s18] =	ssyncset.done $0x0  }
0x87: {  	[sflag:s18] =	ssyncadd.s32 $0xFFFFD800  }
0x88: {  	[hbm4b:s15+s21] =	stream.strided.scatter [tilespmem:s3], [sflag:$0x1], $0x2800, s22, s21, $0x38;
	[tilespmem:$0x1C880] =	vst v63  }
0x89: {  	_ =	swait.ge [sflag:s18], $0x2800  }
0x8a: {  	[sflag:s18] =	ssyncset.done $0x0  }
0x8b: {  	[sflag:s18] =	ssyncadd.s32 $0xFFFFD800  }
0x8c: {  	[hbm4b:s16+s21] =	stream.strided.scatter [tilespmem:s20], [sflag:$0x1], $0x2800, s22, s21, $0x38;
	[tilespmem:$0x1C880] =	vst v63  }
0x8d: {  	s6 =	simm.s32 @!p0 $0x0;
	_ =	swait.ge [sflag:s18], $0x2800  }
0x8e: {  	s7 =	simm.s32 @!p0 $0x19080;
	s5 =	sadd.s32 $0x1, s5;
	[sflag:s18] =	ssyncset.done $0x0  }
0x8f: {  	p1 =	sne.s32 s5, s17;
	s8 =	rddreg [dreg:$0x6];
	[sflag:s18] =	ssyncadd.s32 $0xFFFFD800  }
0x90: {  	[hbm4b:s8+s6] =	stream.linear.scatter @!p0 [tilespmem:s7], [sflag:$0x1], $0x2800, $0x38;
	[tilespmem:$0x1C880] =	vst v63  }
.Ltmp3:
0x91: {  	_ = 	snop;
	(pc) =	sbr.rel @p1 .LBB2_1-.Ltmp3, $4  }
0x92: {  	s6 =	simm.s32 @!p0 $0x1  }
0x93: {  	_ =	swait.ge @!p0 [sflag:s6], $0x2800  }
0x94: {  	[sflag:s6] =	ssyncset.done @!p0 $0x0  }
0x95: {  	[sflag:s6] =	ssyncadd.s32 @!p0 $0xFFFFD800  }
0x96: {  	_ =	sfence.sel $0x180000  }
0x97: {  	[bflag:$0x0] =	sbarrier.arrive $0xFFFF  }
0x98: {  	_ =	strace $0x90000047  }
0x99: {  	s0 =	stileid.u32;
	[bflag:$0x2] =	sbarrier.arrive $0xFFFF  }
0x9a: {  	p0 =	sne.s32 s0, $0x0;
	s0 =	rddreg [dreg:$0x2]  }
0x9b: {  	s0 =	sadd.s32 @!p0 $0x100000, s0  }
0x9c: {  	[sflag:s0] =	ssyncadd.tile.s32 @!p0 $0x1;
	_ =	shalt  }
.Lfunc_end2:
_tile_overlayer_lowered:
.L_overlay_start_2:
0x9d: {  	(tag) =	ssettag $0x2  }
0x9e: {  	s0 =	rddreg [dreg:$0x0];
	s2 =	stileid.u32  }
0x9f: {  	s1 =	rddreg [dreg:$0x1];
	p0 =	sne.s32 s2, $0x0  }
0xa0: {  	s3 =	rddreg [dreg:$0x2];
	[bflag:$0x3] =	sbarrier.arrive $0xFFFF;
	s2 =	simm.s32 @!p0 $0x1C01  }
0xa1: {  	[timem:s3], [sflag:s2] =	dma.local @!p0 [hbm:s0], s1  }
0xa2: {  	s0 =	simm.s32 @!p0 $0x1  }
0xa3: {  	_ =	swait.ge @!p0 [sflag:s0], s1  }
0xa4: {  	s1 =	ssub.s32 @!p0 $0x0, s1;
	[sflag:s0] =	ssyncset.done @!p0 $0x0  }
0xa5: {  	[sflag:s0] =	ssyncadd.s32 @!p0 s1  }
0xa6: {  	[bflag:$0x3] =	sbarrier.arrive $0xFFFF  }
0xa7: {  	_ =	shalt  }

// kernel: kernel.15.cloned.1.call-start
scs
__scs_entry_jumppad:
0x0: {  	(pc) =	sbr.rel $0x88, $3  }
0x1: {  	(tag) =	ssettag $0x0;
	lr =	simm.s32 $0x1  }
0x2: {  	[smem:$0x3F89] =	sst lr;
	_ =	strace $0xD0000000  }
0x3: {  	_ = 	snop  }
0x4: {  	_ = 	snop  }
0x5: {  	_ = 	snop  }
0x6: {  	_ = 	snop  }
0x7: {  	_ = 	snop  }
__scs_overlays_trampoline_lowered:
0x8: {  	[smem:$0x3F98] =	sst s0  }
0x9: {  	[smem:$0x3F99] =	sst s1  }
0xa: {  	[smem:$0x3F9A] =	sst s2  }
0xb: {  	[smem:$0x3F9B] =	sst s3  }
0xc: {  	[smem:$0x3F9C] =	sst s4  }
0xd: {  	[smem:$0x3F9D] =	sst s5  }
0xe: {  	[smem:$0x3F9E] =	sst s6  }
0xf: {  	[smem:$0x3F9F] =	sst s7  }
0x10: {  	[smem:$0x3FA0] =	sst s8  }
0x11: {  	[smem:$0x3FA1] =	sst s9;
	s0 =	simm.s32 @!p0 $0x0  }
0x12: {  	s1 =	sld [smem:$0x3F87];
	s0 =	simm.s32 @p0 $0x1  }
0x13: {  	[smem:$0x3FA2] =	sst s0;
	s0 =	simm.s32 @!p1 $0x0  }
0x14: {  	s2 =	sld [smem:$0x3F86];
	s0 =	simm.s32 @p1 $0x1  }
0x15: {  	[smem:$0x3FA3] =	sst s0;
	s0 =	simm.s32 @!p2 $0x0  }
0x16: {  	s3 =	sld [smem:$0x3FDB];
	s0 =	simm.s32 @p2 $0x1  }
0x17: {  	s4 =	simm.s32 $0x1BF5;
	[smem:$0x3FA5] =	sst s0  }
0x18: {  	s0 =	sld [smem:$0x3F88];
	_ =	swait.ge [sflag:s4], $0x0  }
0x19: {  	s7 =	sld [smem:$0x3F89]  }
0x1a: {  	s8 =	sadd.s32 $0xFFFFE003, lr  }
0x1b: {  	s9 =	sadd.s32 $0xFFFFFEF7, lr;
	s5 =	simm.s32 $0xFFFFFFFF;
	p2 =	slt.u32 s8, $0xFFFFF086  }
0x1c: {  	p1 =	slt.u32 s9, $0xF7A;
	s5 =	simm.s32 @!p2 $0x0  }
0x1d: {  	s5 =	simm.s32 @p1 $0x1;
	p0 =	seq.s32 s7, s2  }
0x1e: {  	s7 =	smul.u32 @!p0 $0xF7A, s2;
	p2 =	seq.s32 @!p0 s5, $0x0  }
0x1f: {  	s9 =	smul.u32 $0xF7A, s1;
	s8 =	simm.s32 @!p0 $0x1BF5;
	p2 =	por !p2, p0  }
0x20: {  	[sflag:s8] =	ssyncset.s32 @!p0 $0xFFFFF086;
	s6 =	sadd.s32 @!p0 s3, s7;
	s7 =	simm.s32 @!p0 $0x108  }
0x21: {  	s3 =	sadd.s32 s3, s9;
	s6 =	sadd.s32 @!p0 $0x88, s6;
	s7 =	simm.s32 @p2 $0x1082  }
0x22: {  	[simem:s7], [sflag:s8] =	dma.local @!p0 [hbm:s6], $0xF7A  }
0x23: {  	s9 =	sor.u32 $0xD0000000, s2;
	s6 =	simm.s32 $0x108;
	_ =	swait.ge @!p0 [sflag:s8], $0x0  }
0x24: {  	s3 =	sadd.s32 $0x88, s3;
	s6 =	simm.s32 @!p1 $0x1082;
	[sflag:s4] =	ssyncset.s32 $0xFFFFF086  }
0x25: {  	[simem:s6], [sflag:s4] =	dma.local [hbm:s3], $0xF7A  }
0x26: {  	[smem:$0x3F89] =	sst s1;
	(tag) =	ssettag s2;
	_ =	strace s9  }
0x27: {  	s1 =	sld [smem:$0x3F99]  }
0x28: {  	s2 =	sld [smem:$0x3F9A]  }
0x29: {  	s4 =	sld [smem:$0x3F9C]  }
0x2a: {  	p0 =	seq.s32 s5, $0x0;
	s5 =	sld [smem:$0x3F9D]  }
0x2b: {  	s6 =	sld [smem:$0x3F9E]  }
0x2c: {  	s7 =	sld [smem:$0x3F9F]  }
0x2d: {  	s3 =	simm.s32 $0x108;
	s8 =	sld [smem:$0x3FA0]  }
0x2e: {  	s3 =	simm.s32 @!p0 $0x1082;
	s9 =	sld [smem:$0x3FA1]  }
0x2f: {  	lr =	sadd.s32 s0, s3;
	s0 =	sld [smem:$0x3F98]  }
0x30: {  	s3 =	sld [smem:$0x3F9B]  }
0x31: {  	[smem:$0x3FA4] =	sst s10  }
0x32: {  	s10 =	sld [smem:$0x3FA2];
	_ =	sdelay $0x3  }
0x33: {  	p0 =	seq.s32 s10, $0x1;
	s10 =	sld [smem:$0x3FA4];
	_ =	sdelay $0x3  }
0x34: {  	[smem:$0x3FA4] =	sst s10  }
0x35: {  	s10 =	sld [smem:$0x3FA3];
	_ =	sdelay $0x3  }
0x36: {  	p1 =	seq.s32 s10, $0x1;
	s10 =	sld [smem:$0x3FA4];
	_ =	sdelay $0x3  }
0x37: {  	[smem:$0x3FA4] =	sst s10  }
0x38: {  	s10 =	sld [smem:$0x3FA5]  }
0x39: {  	_ = 	snop;
	(pc) =	sbr.ind lr, $3  }
0x3a: {  	_ = 	snop  }
0x3b: {  	_ = 	snop  }
0x3c: {  	p2 =	seq.s32 s10, $0x1;
	s10 =	sld [smem:$0x3FA4]  }
0x3d: {  	_ =	shalt  }
0x3e: {  	_ =	shalt  }
0x3f: {  	_ =	shalt  }
0x40: {  	_ =	shalt  }
0x41: {  	_ =	shalt  }
0x42: {  	_ =	shalt  }
0x43: {  	_ =	shalt  }
0x44: {  	_ =	shalt  }
0x45: {  	_ =	shalt  }
0x46: {  	_ =	shalt  }
0x47: {  	_ =	shalt  }
0x48: {  	_ =	shalt  }
0x49: {  	_ =	shalt  }
0x4a: {  	_ =	shalt  }
0x4b: {  	_ =	shalt  }
0x4c: {  	_ =	shalt  }
0x4d: {  	_ =	shalt  }
0x4e: {  	_ =	shalt  }
0x4f: {  	_ =	shalt  }
0x50: {  	_ =	shalt  }
0x51: {  	_ =	shalt  }
0x52: {  	_ =	shalt  }
0x53: {  	_ =	shalt  }
0x54: {  	_ =	shalt  }
0x55: {  	_ =	shalt  }
0x56: {  	_ =	shalt  }
0x57: {  	_ =	shalt  }
0x58: {  	_ =	shalt  }
0x59: {  	_ =	shalt  }
0x5a: {  	_ =	shalt  }
0x5b: {  	_ =	shalt  }
0x5c: {  	_ =	shalt  }
0x5d: {  	_ =	shalt  }
0x5e: {  	_ =	shalt  }
0x5f: {  	_ =	shalt  }
0x60: {  	_ =	shalt  }
0x61: {  	_ =	shalt  }
0x62: {  	_ =	shalt  }
0x63: {  	_ =	shalt  }
0x64: {  	_ =	shalt  }
0x65: {  	_ =	shalt  }
0x66: {  	_ =	shalt  }
0x67: {  	_ =	shalt  }
0x68: {  	_ =	shalt  }
0x69: {  	_ =	shalt  }
0x6a: {  	_ =	shalt  }
0x6b: {  	_ =	shalt  }
0x6c: {  	_ =	shalt  }
0x6d: {  	_ =	shalt  }
0x6e: {  	_ =	shalt  }
0x6f: {  	_ =	shalt  }
0x70: {  	_ =	shalt  }
0x71: {  	_ =	shalt  }
0x72: {  	_ =	shalt  }
0x73: {  	_ =	shalt  }
0x74: {  	_ =	shalt  }
0x75: {  	_ =	shalt  }
0x76: {  	_ =	shalt  }
0x77: {  	_ =	shalt  }
0x78: {  	_ =	shalt  }
0x79: {  	_ =	shalt  }
0x7a: {  	_ =	shalt  }
0x7b: {  	_ =	shalt  }
0x7c: {  	_ =	shalt  }
0x7d: {  	_ =	shalt  }
0x7e: {  	_ =	shalt  }
0x7f: {  	_ =	shalt  }
0x80: {  	_ =	shalt  }
0x81: {  	_ =	shalt  }
0x82: {  	_ =	shalt  }
0x83: {  	_ =	shalt  }
0x84: {  	_ =	shalt  }
0x85: {  	_ =	shalt  }
0x86: {  	_ =	shalt  }
0x87: {  	_ =	shalt  }
.Lfunc_end0:
.L_simem_size_0:
called_computation.1_lowered:
.L_overlay_start_0:
0x88: {  	s2 =	sld [smem:$0x3FD9]  }
0x89: {  	s3 =	sld [smem:$0x3FFE];
	_ =	sdelay $0x1  }
0x8a: {  	s1 =	srdreg.scid  }
0x8b: {  	s0 =	sand.u32 $0x1, s1  }
0x8c: {  	s17 =	sshll.u32 s0, $0xA;
	s2 =	sadd.s32 s3, s2  }
0x8d: {  	s2 =	sadd.s32 s2, s17  }
0x8e: {  	[smem:$0x3FB0] =	sst s2  }
0x8f: {  	_ = 	snop  }
0x90: {  	s2 =	sld [smem:$0x3FD0];
	(tm) =	ssettm $0x1  }
0x91: {  	s18 =	sld [smem:$0x3FFB];
	_ =	sdelay $0x3  }
0x92: {  	_ =	strace s18  }
0x93: {  	s3 =	sld [smem:$0x3FFC];
	_ =	sdelay $0x3  }
0x94: {  	_ =	strace s3  }
0x95: {  	s3 =	sld [smem:$0x3FFD];
	_ =	sdelay $0x3  }
0x96: {  	_ =	strace s3  }
0x97: {  	_ =	strace $0x8FFFFFFF  }
0x98: {  	s19 =	sld [smem:$0x3FDB];
	_ =	sdelay $0x1  }
0x99: {  	s4 =	simm.s32 $_scs_section_size  }
0x9a: {  	s5 =	simm.s32 $_size__tile_overlayer_lowered;
	s6 =	simm.s32 $_tile_overlayer_lowered  }
0x9b: {  	s22 =	simm.s32 $0x1BFF;
	s21 =	sshll.u32 s6, $0x1;
	s3 =	sadd.s32 s4, s19  }
0x9c: {  	s7 =	simm.s32 $0x0;
	s20 =	sshll.u32 s5, $0x1;
	s5 =	sadd.s32 s21, s3  }
0x9d: {  	[timem:s7], [sflag:s22] =	dma.local [hbm:s5], s20  }
0x9e: {  	_ =	swait.ge [sflag:s22], s20  }
0x9f: {  	s4 =	ssub.s32 $0x0, s20;
	[sflag:s22] =	ssyncset.done $0x0  }
0xa0: {  	[sflag:s22] =	ssyncadd.s32 s4;
	_ =	sdelay $0x1  }
0xa1: {  	s23 =	simm.s32 $0x1B8B  }
0xa2: {  	_ =	swait.ge [sflag:s23], $0x1  }
0xa3: {  	[sflag:s23] =	ssyncset.done $0x0  }
0xa4: {  	s25 =	simm.s32 $0x1B8E;
	s24 =	sld [smem:$0x3FFE];
	[sflag:s23] =	ssyncadd.s32 $0xFFFFFFFF  }
0xa5: {  	s26 =	simm.s32 $execute0_lowered;
	[smem:$0x3FD2] =	sst s25  }
0xa6: {  	s5 =	sshll.u32 s26, $0x1;
	_ =	strace $0x80000049;
	[dreg:$0x1] =	wrdreg $0xFFFFFFFF  }
0xa7: {  	s28 =	simm.s32 $_size_execute0_lowered;
	s3 =	sadd.s32 s3, s5;
	[dreg:$0x0] =	wrdreg $0x0  }
0xa8: {  	s5 =	sshll.u32 s28, $0x1;
	[dreg:$0x2] =	wrdreg s3  }
0xa9: {  	[dreg:$0x3] =	wrdreg s5  }
0xaa: {  	[dreg:$0x4] =	wrdreg $0xC0  }
0xab: {  	_ =	task [dreg:s7], $0x5FFFF  }
0xac: {  	[dreg:$0x1] =	wrdreg $0xFFFFFFFF  }
0xad: {  	[dreg:$0x0] =	wrdreg $0x60  }
0xae: {  	[dreg:$0x2] =	wrdreg s24  }
0xaf: {  	[dreg:$0x3] =	wrdreg s2  }
0xb0: {  	[dreg:$0x4] =	wrdreg $0x9  }
0xb1: {  	_ =	task.clear_ibuf [dreg:s7], $0x5FFFF;
	_ =	strace $0x90000049  }
0xb2: {  	s29 =	simm.s32 $0x9;
	_ =	strace $0x8000004B  }
0xb3: {  	_ =	swait.ge [sflag:s29], $0x1  }
0xb4: {  	[sflag:s29] =	ssyncadd.s32 $0xFFFFFFFF  }
0xb5: {  	_ =	strace $0x9000004B  }
0xb6: {  	_ =	sfence  }
0xb7: {  	s30 =	sld [smem:$0x0];
	_ =	sdelay $0x2  }
0xb8: {  	s31 =	sshll.u32 s1, $0xD;
	s1 =	sshrl.u32 s1, $0x2  }
0xb9: {  	s3 =	sand.u32 $0x4000, s31;
	s1 =	sadd.s32 s1, s30  }
0xba: {  	s0 =	sor.u32 s3, s0;
	s1 =	sshll.u32 s1, $0x11  }
0xbb: {  	s0 =	sor.u32 s1, s0  }
0xbc: {  	s0 =	sadd.s32 $0x8F2B, s0  }
0xbd: {  	[sflag:s0] =	ssyncadd.remote.s32 $0x1  }
0xbe: {  	_ =	sfence.sel $0xFFFF  }
0xbf: {  	[dreg:$0x0] =	wrdreg $0xFFFFFFFF;
	(pc) =	sbr.abs _section_cstart, $3  }
0xc0: {  	[dreg:$0x1] =	wrdreg $0xFFFFFFFF  }
0xc1: {  	_ =	task.clear_ibuf [dreg:s7], $0x2FFFF;
	_ =	strace $0x9FFFFFFF  }
0xc2: {  	(tm) =	ssettm $0x7FFFFFFF  }
0xc3: {  	_ =	shalt  }
tec
execute0_lowered:
.L_overlay_start_1:
0x0: {  	(tag) =	ssettag $0x1  }
0x1: {  	s0 =	rddreg [dreg:$0x0]  }
0x2: {  	s1 =	rddreg [dreg:$0x1];
	s2 =	simm.s32 $0x0  }
0x3: {  	s3 =	srdreg.scid;
	s17 =	stileid.u32;
	s18 =	simm.s32 $0x1  }
0x4: {  	s19 =	simm.s32 $0x2800;
	s28 =	simm.s32 $0x1B880;
	s29 =	simm.s32 $0x1C080  }
0x5: {  	s30 =	simm.s32 $0x19080;
	s31 =	simm.s32 $0xF080;
	[smem:$0x7FF] =	sst s2  }
0x6: {  	s4 =	sadd.s32 $0x2FC00, s0;
	s5 =	sadd.s32 $0x2EE00, s0;
	s3 =	sand.u32 $0x1, s3  }
0x7: {  	s20 =	smul.u32 $0x14000, s17;
	s6 =	sadd.s32 $0x2F400, s0;
	s21 =	sadd.s32 $0x2FA00, s0  }
0x8: {  	s7 =	sadd.s32 $0x6E00, s0;
	_ =	strace $0x8000004A;
	[dreg:$0x3] =	wrdreg s5  }
0x9: {  	s23 =	sadd.s32 $0x39A00, s0;
	s0 =	sadd.s32 $0x61A00, s0;
	[dreg:$0x4] =	wrdreg s6  }
0xa: {  	[dreg:$0x5] =	wrdreg s21;
	s22 =	sshll.u32 s3, $0x9;
	s8 =	ssub.s32 $0x2, s3  }
0xb: {  	[dreg:$0x6] =	wrdreg s0;
	s3 =	sor.u32 s3, s17;
	s21 =	simm.s32 $0x80  }
0xc: {  	s0 =	simm.s32 $0x11880;
	s5 =	sor.u32 s22, s20;
	s9 =	sshrl.u32 s8, $0x1  }
0xd: {  	s22 =	simm.s32 $0x400;
	p0 =	sne.s32 s3, $0x0;
	s3 =	simm.s32 $0x14080  }
0xe: {  	s20 =	simm.s32 $0x16880;
	s5 =	sshrl.u32 s5, $0x3;
	s24 =	ssub.s32 s8, s9  }
0xf: {  	s25 =	sadd.s32 s7, s5;
	s26 =	sor.u32 $0x10, s5;
	s15 =	sor.u32 $0x20, s5  }
0x10: {  	s16 =	sor.u32 $0x30, s5;
	s13 =	sadd.s32 s23, s5;
	s17 =	smax.u32 s24, $0x1  }
0x11: {  	s24 =	simm.s32 $0x7880;
	s5 =	simm.s32 $0x0;
	[dreg:$0x7] =	wrdreg s25  }
0x12: {  	s10 =	sadd.s32 s7, s26;
	s11 =	sadd.s32 s7, s15;
	s12 =	sadd.s32 s7, s16  }
0x13: {  	s14 =	sadd.s32 s23, s26;
	s15 =	sadd.s32 s23, s15;
	s16 =	sadd.s32 s23, s16  }
0x14: {  	v0 =	vimm.f32 $0.0e+00;
	s23 =	simm.s32 $0x5080;
	s25 =	simm.s32 $0xA080;
	s26 =	simm.s32 $0xC880  }
.LBB2_1:
0x15: {  	s6 =	rddreg [dreg:$0x3]  }
0x16: {  	[tilespmem:s2], [sflag:$0x1] =	stream.linear.gather [hbm4b:s6+s2], $0x2800, $0x38;
	[tilespmem:$0x1C880] =	vst v63  }
0x17: {  	_ =	swait.ge [sflag:s18], $0x2800  }
0x18: {  	[sflag:s18] =	ssyncset.done $0x0  }
0x19: {  	s7 =	rddreg [dreg:$0x4];
	[sflag:s18] =	ssyncadd.s32 $0xFFFFD800  }
0x1a: {  	[tilespmem:s19], [sflag:$0x1] =	stream.linear.gather [hbm4b:s7+s2], $0x2800, $0x38;
	[tilespmem:$0x1C880] =	vst v63  }
0x1b: {  	_ =	swait.ge [sflag:s18], $0x2800  }
0x1c: {  	[sflag:s18] =	ssyncset.done $0x0  }
0x1d: {  	s7 =	simm.s32 $0x5000;
	s8 =	rddreg [dreg:$0x5];
	[sflag:s18] =	ssyncadd.s32 $0xFFFFD800  }
0x1e: {  	[tilespmem:s7], [sflag:$0x1] =	stream.linear.gather [hbm4b:s8+s2], $0x80, $0x38;
	[tilespmem:$0x1C880] =	vst v63  }
0x1f: {  	_ =	swait.ge [sflag:s18], $0x80  }
0x20: {  	[sflag:s18] =	ssyncset.done $0x0  }
0x21: {  	s9 =	rddreg [dreg:$0x7];
	[sflag:s18] =	ssyncadd.s32 $0xFFFFFF80  }
0x22: {  	[tilespmem:s23], [sflag:$0x1] =	stream.strided.gather [hbm4b:s9+s21], $0x2800, s22, s21, $0x38;
	[tilespmem:$0x1C880] =	vst v63  }
0x23: {  	_ =	swait.ge [sflag:s18], $0x2800  }
0x24: {  	[sflag:s18] =	ssyncset.done $0x0  }
0x25: {  	[sflag:s18] =	ssyncadd.s32 $0xFFFFD800  }
0x26: {  	[tilespmem:s24], [sflag:$0x1] =	stream.strided.gather [hbm4b:s10+s21], $0x2800, s22, s21, $0x38;
	[tilespmem:$0x1C880] =	vst v63  }
0x27: {  	_ =	swait.ge [sflag:s18], $0x2800  }
0x28: {  	[sflag:s18] =	ssyncset.done $0x0  }
0x29: {  	[sflag:s18] =	ssyncadd.s32 $0xFFFFD800  }
0x2a: {  	[tilespmem:s25], [sflag:$0x1] =	stream.strided.gather [hbm4b:s11+s21], $0x2800, s22, s21, $0x38;
	[tilespmem:$0x1C880] =	vst v63  }
0x2b: {  	_ =	swait.ge [sflag:s18], $0x2800  }
0x2c: {  	[sflag:s18] =	ssyncset.done $0x0  }
0x2d: {  	[sflag:s18] =	ssyncadd.s32 $0xFFFFD800  }
0x2e: {  	[tilespmem:s26], [sflag:$0x1] =	stream.strided.gather [hbm4b:s12+s21], $0x2800, s22, s21, $0x38;
	[tilespmem:$0x1C880] =	vst v63  }
0x2f: {  	_ =	swait.ge [sflag:s18], $0x2800  }
0x30: {  	[sflag:s18] =	ssyncset.done $0x0  }
0x31: {  	s6 =	simm.s32 $0x0;
	s7 =	simm.s32 $0x40;
	[sflag:s18] =	ssyncadd.s32 $0xFFFFD800  }
.LBB2_2:
0x32: {  	p1 =	sne.s32 s7, $0x9FC0;
	[tilespmem:s6+$0x19080] =	vst v0;
	s8 =	smov.u32 s7;
	s7 =	sadd.s32 $0x40, s7  }
.Ltmp0:
0x33: {  	[tilespmem:s6+$0x16880] =	vst v0;
	(pc) =	sbr.rel @p1 .LBB2_2-.Ltmp0, $4  }
0x34: {  	[tilespmem:s6+$0x14080] =	vst v0  }
0x35: {  	[tilespmem:s6+$0xF080] =	vst v0  }
0x36: {  	[tilespmem:s6+$0x11880] =	vst v0  }
0x37: {  	s6 =	sshra.s32 s8, $0x2  }
0x38: {  	[tilespmem:s6+$0x19080] =	vst v0  }
0x39: {  	[tilespmem:s6+$0x16880] =	vst v0  }
0x3a: {  	[tilespmem:s6+$0x14080] =	vst v0  }
0x3b: {  	[tilespmem:s6+$0xF080] =	vst v0  }
0x3c: {  	[tilespmem:s6+$0x11880] =	vst v0  }
0x3d: {  	s6 =	simm.s32 $0x0;
	s7 =	simm.s32 $0x0;
	v1 =	vld [tilespmem:$0x5000]  }
.LBB2_4:
0x3e: {  	s8 =	smul.u32 $0xFA, s7;
	_ =	sdelay $0x1  }
0x3f: {  	s9 =	sadd.s32 s4, s8  }
0x40: {  	[tilespmem:s28], [sflag:$0x1] =	stream.linear.gather [hbm4b:s9+s6], $0x7D0, $0x38;
	[tilespmem:$0x1C880] =	vst v63  }
0x41: {  	_ =	swait.ge [sflag:s18], $0x7D0  }
0x42: {  	[sflag:s18] =	ssyncset.done $0x0  }
0x43: {  	s8 =	sadd.s32 s1, s8;
	[sflag:s18] =	ssyncadd.s32 $0xFFFFF830  }
0x44: {  	[tilespmem:s29], [sflag:$0x1] =	stream.linear.gather [hbm4b:s8+s6], $0x7D0, $0x38;
	[tilespmem:$0x1C880] =	vst v63  }
0x45: {  	_ =	swait.ge [sflag:s18], $0x7D0  }
0x46: {  	[sflag:s18] =	ssyncset.done $0x0  }
0x47: {  	s9 =	simm.s32 $0x0;
	[sflag:s18] =	ssyncadd.s32 $0xFFFFF830  }
0x48: {  	v3 =	vld [tilespmem:s9+$0x1B880]  }
0x49: {  	v2 =	vld [tilespmem:s9+$0x1C080];
	_ =	sdelay $0x6  }
0x4a: {  	v4 =	vld.idx.msk [tilespmem:v3+s2+$0x0], $0xffff  }
0x4b: {  	v5 =	vld.idx.msk [tilespmem:v2+s19+$0x0], $0xffff;
	_ =	sdelay $0x4  }
0x4c: {  	v4 =	vadd.f32 v5, v4;
	_ =	sdelay $0x1  }
0x4d: {  	v5 =	vadd.f32 v5, v1;
	v6 =	vmul.f32 $2.000000030e-01, v4;
	_ =	sdelay $0x1  }
0x4e: {  	v5 =	vmax.f32 v5, $0.0e+00;
	v4 =	vmax.f32 v4, v6  }
0x4f: {  	v4 =	vsub.f32 v4, v5;
	_ =	sdelay $0x1  }
0x50: {  	v4 =	vmul.f32 $1.442695020e+00, v4;
	_ =	sdelay $0x1  }
0x51: {  	(erf) = vpow2.f32 v4;
	_ =	sdelay $0x8  }
0x52: {  	v4 =	vpop (erf)  }
0x53: {  	[tilespmem:v2+s30+$0x0] =	vst.idx.add.f32.msk $0xffff, v4  }
0x54: {  	v5 =	vld.idx.msk [tilespmem:v3+s23+$0x0], $0xffff;
	_ =	sdelay $0x4  }
0x55: {  	v5 =	vmul.f32 v4, v5;
	_ =	sdelay $0x1  }
0x56: {  	[tilespmem:v2+s31+$0x0] =	vst.idx.add.f32.msk $0xffff, v5  }
0x57: {  	v5 =	vld.idx.msk [tilespmem:v3+s24+$0x0], $0xffff;
	_ =	sdelay $0x4  }
0x58: {  	v5 =	vmul.f32 v4, v5;
	_ =	sdelay $0x1  }
0x59: {  	[tilespmem:v2+s0+$0x0] =	vst.idx.add.f32.msk $0xffff, v5  }
0x5a: {  	v5 =	vld.idx.msk [tilespmem:v3+s25+$0x0], $0xffff;
	_ =	sdelay $0x4  }
0x5b: {  	v5 =	vmul.f32 v4, v5;
	_ =	sdelay $0x1  }
0x5c: {  	[tilespmem:v2+s3+$0x0] =	vst.idx.add.f32.msk $0xffff, v5  }
0x5d: {  	v3 =	vld.idx.msk [tilespmem:v3+s26+$0x0], $0xffff;
	_ =	sdelay $0x4  }
0x5e: {  	s8 =	simm.s32 $0x40;
	v3 =	vmul.f32 v3, v4  }
.LBB2_5:
0x5f: {  	p1 =	sne.s32 s8, $0x1F00;
	s9 =	smov.u32 s8;
	s8 =	sadd.s32 $0x40, s8  }
0x60: {  	s9 =	sshra.s32 s9, $0x2;
	[tilespmem:v2+s20+$0x0] =	vst.idx.add.f32.msk $0xffff, v3  }
0x61: {  	v3 =	vld [tilespmem:s9+$0x1B880]  }
0x62: {  	v2 =	vld [tilespmem:s9+$0x1C080];
	_ =	sdelay $0x6  }
0x63: {  	v4 =	vld.idx.msk [tilespmem:v3+s2+$0x0], $0xffff  }
0x64: {  	v5 =	vld.idx.msk [tilespmem:v2+s19+$0x0], $0xffff;
	_ =	sdelay $0x5  }
0x65: {  	v4 =	vadd.f32 v5, v4;
	v5 =	vadd.f32 v5, v1;
	_ =	sdelay $0x1  }
0x66: {  	v6 =	vmul.f32 $2.000000030e-01, v4  }
0x67: {  	v5 =	vmax.f32 v5, $0.0e+00  }
0x68: {  	v4 =	vmax.f32 v4, v6  }
0x69: {  	v4 =	vsub.f32 v4, v5;
	_ =	sdelay $0x1  }
0x6a: {  	v4 =	vmul.f32 $1.442695020e+00, v4;
	_ =	sdelay $0x1  }
0x6b: {  	(erf) = vpow2.f32 v4;
	_ =	sdelay $0x8  }
0x6c: {  	v4 =	vpop (erf)  }
0x6d: {  	[tilespmem:v2+s30+$0x0] =	vst.idx.add.f32.msk $0xffff, v4  }
0x6e: {  	v5 =	vld.idx.msk [tilespmem:v3+s23+$0x0], $0xffff;
	_ =	sdelay $0x5  }
0x6f: {  	v5 =	vmul.f32 v4, v5;
	_ =	sdelay $0x1  }
0x70: {  	[tilespmem:v2+s31+$0x0] =	vst.idx.add.f32.msk $0xffff, v5  }
0x71: {  	v5 =	vld.idx.msk [tilespmem:v3+s24+$0x0], $0xffff;
	_ =	sdelay $0x5  }
0x72: {  	v5 =	vmul.f32 v4, v5;
	_ =	sdelay $0x1  }
0x73: {  	[tilespmem:v2+s0+$0x0] =	vst.idx.add.f32.msk $0xffff, v5  }
0x74: {  	v5 =	vld.idx.msk [tilespmem:v3+s25+$0x0], $0xffff;
	_ =	sdelay $0x5  }
0x75: {  	v5 =	vmul.f32 v4, v5;
	_ =	sdelay $0x1  }
0x76: {  	[tilespmem:v2+s3+$0x0] =	vst.idx.add.f32.msk $0xffff, v5  }
0x77: {  	v3 =	vld.idx.msk [tilespmem:v3+s26+$0x0], $0xffff;
	_ =	sdelay $0x1  }
.Ltmp1:
0x78: {  	(pc) =	sbr.rel @p1 .LBB2_5-.Ltmp1, $2  }
0x79: {  	_ =	sdelay $0x2  }
0x7a: {  	v3 =	vmul.f32 v3, v4  }
0x7b: {  	s7 =	sadd.s32 $0x1, s7  }
0x7c: {  	p1 =	sne.s32 s7, $0xA0  }
.Ltmp2:
0x7d: {  	_ = 	snop;
	(pc) =	sbr.rel @p1 .LBB2_4-.Ltmp2, $2  }
0x7e: {  	_ =	sdelay $0x2  }
0x7f: {  	[tilespmem:v2+s20+$0x0] =	vst.idx.add.f32.msk $0xffff, v3  }
0x80: {  	[hbm4b:s13+s21] =	stream.strided.scatter [tilespmem:s31], [sflag:$0x1], $0x2800, s22, s21, $0x38;
	[tilespmem:$0x1C880] =	vst v63  }
0x81: {  	_ =	swait.ge [sflag:s18], $0x2800  }
0x82: {  	[sflag:s18] =	ssyncset.done $0x0  }
0x83: {  	[sflag:s18] =	ssyncadd.s32 $0xFFFFD800  }
0x84: {  	[hbm4b:s14+s21] =	stream.strided.scatter [tilespmem:s0], [sflag:$0x1], $0x2800, s22, s21, $0x38;
	[tilespmem:$0x1C880] =	vst v63  }
0x85: {  	_ =	swait.ge [sflag:s18], $0x2800  }
0x86: {  	[sflag:s18] =	ssyncset.done $0x0  }
0x87: {  	[sflag:s18] =	ssyncadd.s32 $0xFFFFD800  }
0x88: {  	[hbm4b:s15+s21] =	stream.strided.scatter [tilespmem:s3], [sflag:$0x1], $0x2800, s22, s21, $0x38;
	[tilespmem:$0x1C880] =	vst v63  }
0x89: {  	_ =	swait.ge [sflag:s18], $0x2800  }
0x8a: {  	[sflag:s18] =	ssyncset.done $0x0  }
0x8b: {  	[sflag:s18] =	ssyncadd.s32 $0xFFFFD800  }
0x8c: {  	[hbm4b:s16+s21] =	stream.strided.scatter [tilespmem:s20], [sflag:$0x1], $0x2800, s22, s21, $0x38;
	[tilespmem:$0x1C880] =	vst v63  }
0x8d: {  	s6 =	simm.s32 @!p0 $0x0;
	_ =	swait.ge [sflag:s18], $0x2800  }
0x8e: {  	s7 =	simm.s32 @!p0 $0x19080;
	s5 =	sadd.s32 $0x1, s5;
	[sflag:s18] =	ssyncset.done $0x0  }
0x8f: {  	p1 =	sne.s32 s5, s17;
	s8 =	rddreg [dreg:$0x6];
	[sflag:s18] =	ssyncadd.s32 $0xFFFFD800  }
0x90: {  	[hbm4b:s8+s6] =	stream.linear.scatter @!p0 [tilespmem:s7], [sflag:$0x1], $0x2800, $0x38;
	[tilespmem:$0x1C880] =	vst v63  }
.Ltmp3:
0x91: {  	_ = 	snop;
	(pc) =	sbr.rel @p1 .LBB2_1-.Ltmp3, $4  }
0x92: {  	s6 =	simm.s32 @!p0 $0x1  }
0x93: {  	_ =	swait.ge @!p0 [sflag:s6], $0x2800  }
0x94: {  	[sflag:s6] =	ssyncset.done @!p0 $0x0  }
0x95: {  	[sflag:s6] =	ssyncadd.s32 @!p0 $0xFFFFD800  }
0x96: {  	_ =	sfence.sel $0x180000  }
0x97: {  	[bflag:$0x0] =	sbarrier.arrive $0xFFFF  }
0x98: {  	_ =	strace $0x9000004A  }
0x99: {  	s0 =	stileid.u32;
	[bflag:$0x2] =	sbarrier.arrive $0xFFFF  }
0x9a: {  	p0 =	sne.s32 s0, $0x0;
	s0 =	rddreg [dreg:$0x2]  }
0x9b: {  	s0 =	sadd.s32 @!p0 $0x100000, s0  }
0x9c: {  	[sflag:s0] =	ssyncadd.tile.s32 @!p0 $0x1;
	_ =	shalt  }
.Lfunc_end2:
_tile_overlayer_lowered:
.L_overlay_start_2:
0x9d: {  	(tag) =	ssettag $0x2  }
0x9e: {  	s0 =	rddreg [dreg:$0x0];
	s2 =	stileid.u32  }
0x9f: {  	s1 =	rddreg [dreg:$0x1];
	p0 =	sne.s32 s2, $0x0  }
0xa0: {  	s3 =	rddreg [dreg:$0x2];
	[bflag:$0x3] =	sbarrier.arrive $0xFFFF;
	s2 =	simm.s32 @!p0 $0x1C01  }
0xa1: {  	[timem:s3], [sflag:s2] =	dma.local @!p0 [hbm:s0], s1  }
0xa2: {  	s0 =	simm.s32 @!p0 $0x1  }
0xa3: {  	_ =	swait.ge @!p0 [sflag:s0], s1  }
0xa4: {  	s1 =	ssub.s32 @!p0 $0x0, s1;
	[sflag:s0] =	ssyncset.done @!p0 $0x0  }
0xa5: {  	[sflag:s0] =	ssyncadd.s32 @!p0 s1  }
0xa6: {  	[bflag:$0x3] =	sbarrier.arrive $0xFFFF  }
0xa7: {  	_ =	shalt  }

// kernel: kernel.18.cloned.1.call-start
scs
__scs_entry_jumppad:
0x0: {  	(pc) =	sbr.rel $0x88, $3  }
0x1: {  	(tag) =	ssettag $0x0;
	lr =	simm.s32 $0x1  }
0x2: {  	[smem:$0x3F89] =	sst lr;
	_ =	strace $0xD0000000  }
0x3: {  	_ = 	snop  }
0x4: {  	_ = 	snop  }
0x5: {  	_ = 	snop  }
0x6: {  	_ = 	snop  }
0x7: {  	_ = 	snop  }
__scs_overlays_trampoline_lowered:
0x8: {  	[smem:$0x3F98] =	sst s0  }
0x9: {  	[smem:$0x3F99] =	sst s1  }
0xa: {  	[smem:$0x3F9A] =	sst s2  }
0xb: {  	[smem:$0x3F9B] =	sst s3  }
0xc: {  	[smem:$0x3F9C] =	sst s4  }
0xd: {  	[smem:$0x3F9D] =	sst s5  }
0xe: {  	[smem:$0x3F9E] =	sst s6  }
0xf: {  	[smem:$0x3F9F] =	sst s7  }
0x10: {  	[smem:$0x3FA0] =	sst s8  }
0x11: {  	[smem:$0x3FA1] =	sst s9;
	s0 =	simm.s32 @!p0 $0x0  }
0x12: {  	s1 =	sld [smem:$0x3F87];
	s0 =	simm.s32 @p0 $0x1  }
0x13: {  	[smem:$0x3FA2] =	sst s0;
	s0 =	simm.s32 @!p1 $0x0  }
0x14: {  	s2 =	sld [smem:$0x3F86];
	s0 =	simm.s32 @p1 $0x1  }
0x15: {  	[smem:$0x3FA3] =	sst s0;
	s0 =	simm.s32 @!p2 $0x0  }
0x16: {  	s3 =	sld [smem:$0x3FDB];
	s0 =	simm.s32 @p2 $0x1  }
0x17: {  	s4 =	simm.s32 $0x1BF5;
	[smem:$0x3FA5] =	sst s0  }
0x18: {  	s0 =	sld [smem:$0x3F88];
	_ =	swait.ge [sflag:s4], $0x0  }
0x19: {  	s7 =	sld [smem:$0x3F89]  }
0x1a: {  	s8 =	sadd.s32 $0xFFFFE003, lr  }
0x1b: {  	s9 =	sadd.s32 $0xFFFFFEF7, lr;
	s5 =	simm.s32 $0xFFFFFFFF;
	p2 =	slt.u32 s8, $0xFFFFF086  }
0x1c: {  	p1 =	slt.u32 s9, $0xF7A;
	s5 =	simm.s32 @!p2 $0x0  }
0x1d: {  	s5 =	simm.s32 @p1 $0x1;
	p0 =	seq.s32 s7, s2  }
0x1e: {  	s7 =	smul.u32 @!p0 $0xF7A, s2;
	p2 =	seq.s32 @!p0 s5, $0x0  }
0x1f: {  	s9 =	smul.u32 $0xF7A, s1;
	s8 =	simm.s32 @!p0 $0x1BF5;
	p2 =	por !p2, p0  }
0x20: {  	[sflag:s8] =	ssyncset.s32 @!p0 $0xFFFFF086;
	s6 =	sadd.s32 @!p0 s3, s7;
	s7 =	simm.s32 @!p0 $0x108  }
0x21: {  	s3 =	sadd.s32 s3, s9;
	s6 =	sadd.s32 @!p0 $0x88, s6;
	s7 =	simm.s32 @p2 $0x1082  }
0x22: {  	[simem:s7], [sflag:s8] =	dma.local @!p0 [hbm:s6], $0xF7A  }
0x23: {  	s9 =	sor.u32 $0xD0000000, s2;
	s6 =	simm.s32 $0x108;
	_ =	swait.ge @!p0 [sflag:s8], $0x0  }
0x24: {  	s3 =	sadd.s32 $0x88, s3;
	s6 =	simm.s32 @!p1 $0x1082;
	[sflag:s4] =	ssyncset.s32 $0xFFFFF086  }
0x25: {  	[simem:s6], [sflag:s4] =	dma.local [hbm:s3], $0xF7A  }
0x26: {  	[smem:$0x3F89] =	sst s1;
	(tag) =	ssettag s2;
	_ =	strace s9  }
0x27: {  	s1 =	sld [smem:$0x3F99]  }
0x28: {  	s2 =	sld [smem:$0x3F9A]  }
0x29: {  	s4 =	sld [smem:$0x3F9C]  }
0x2a: {  	p0 =	seq.s32 s5, $0x0;
	s5 =	sld [smem:$0x3F9D]  }
0x2b: {  	s6 =	sld [smem:$0x3F9E]  }
0x2c: {  	s7 =	sld [smem:$0x3F9F]  }
0x2d: {  	s3 =	simm.s32 $0x108;
	s8 =	sld [smem:$0x3FA0]  }
0x2e: {  	s3 =	simm.s32 @!p0 $0x1082;
	s9 =	sld [smem:$0x3FA1]  }
0x2f: {  	lr =	sadd.s32 s0, s3;
	s0 =	sld [smem:$0x3F98]  }
0x30: {  	s3 =	sld [smem:$0x3F9B]  }
0x31: {  	[smem:$0x3FA4] =	sst s10  }
0x32: {  	s10 =	sld [smem:$0x3FA2];
	_ =	sdelay $0x3  }
0x33: {  	p0 =	seq.s32 s10, $0x1;
	s10 =	sld [smem:$0x3FA4];
	_ =	sdelay $0x3  }
0x34: {  	[smem:$0x3FA4] =	sst s10  }
0x35: {  	s10 =	sld [smem:$0x3FA3];
	_ =	sdelay $0x3  }
0x36: {  	p1 =	seq.s32 s10, $0x1;
	s10 =	sld [smem:$0x3FA4];
	_ =	sdelay $0x3  }
0x37: {  	[smem:$0x3FA4] =	sst s10  }
0x38: {  	s10 =	sld [smem:$0x3FA5]  }
0x39: {  	_ = 	snop;
	(pc) =	sbr.ind lr, $3  }
0x3a: {  	_ = 	snop  }
0x3b: {  	_ = 	snop  }
0x3c: {  	p2 =	seq.s32 s10, $0x1;
	s10 =	sld [smem:$0x3FA4]  }
0x3d: {  	_ =	shalt  }
0x3e: {  	_ =	shalt  }
0x3f: {  	_ =	shalt  }
0x40: {  	_ =	shalt  }
0x41: {  	_ =	shalt  }
0x42: {  	_ =	shalt  }
0x43: {  	_ =	shalt  }
0x44: {  	_ =	shalt  }
0x45: {  	_ =	shalt  }
0x46: {  	_ =	shalt  }
0x47: {  	_ =	shalt  }
0x48: {  	_ =	shalt  }
0x49: {  	_ =	shalt  }
0x4a: {  	_ =	shalt  }
0x4b: {  	_ =	shalt  }
0x4c: {  	_ =	shalt  }
0x4d: {  	_ =	shalt  }
0x4e: {  	_ =	shalt  }
0x4f: {  	_ =	shalt  }
0x50: {  	_ =	shalt  }
0x51: {  	_ =	shalt  }
0x52: {  	_ =	shalt  }
0x53: {  	_ =	shalt  }
0x54: {  	_ =	shalt  }
0x55: {  	_ =	shalt  }
0x56: {  	_ =	shalt  }
0x57: {  	_ =	shalt  }
0x58: {  	_ =	shalt  }
0x59: {  	_ =	shalt  }
0x5a: {  	_ =	shalt  }
0x5b: {  	_ =	shalt  }
0x5c: {  	_ =	shalt  }
0x5d: {  	_ =	shalt  }
0x5e: {  	_ =	shalt  }
0x5f: {  	_ =	shalt  }
0x60: {  	_ =	shalt  }
0x61: {  	_ =	shalt  }
0x62: {  	_ =	shalt  }
0x63: {  	_ =	shalt  }
0x64: {  	_ =	shalt  }
0x65: {  	_ =	shalt  }
0x66: {  	_ =	shalt  }
0x67: {  	_ =	shalt  }
0x68: {  	_ =	shalt  }
0x69: {  	_ =	shalt  }
0x6a: {  	_ =	shalt  }
0x6b: {  	_ =	shalt  }
0x6c: {  	_ =	shalt  }
0x6d: {  	_ =	shalt  }
0x6e: {  	_ =	shalt  }
0x6f: {  	_ =	shalt  }
0x70: {  	_ =	shalt  }
0x71: {  	_ =	shalt  }
0x72: {  	_ =	shalt  }
0x73: {  	_ =	shalt  }
0x74: {  	_ =	shalt  }
0x75: {  	_ =	shalt  }
0x76: {  	_ =	shalt  }
0x77: {  	_ =	shalt  }
0x78: {  	_ =	shalt  }
0x79: {  	_ =	shalt  }
0x7a: {  	_ =	shalt  }
0x7b: {  	_ =	shalt  }
0x7c: {  	_ =	shalt  }
0x7d: {  	_ =	shalt  }
0x7e: {  	_ =	shalt  }
0x7f: {  	_ =	shalt  }
0x80: {  	_ =	shalt  }
0x81: {  	_ =	shalt  }
0x82: {  	_ =	shalt  }
0x83: {  	_ =	shalt  }
0x84: {  	_ =	shalt  }
0x85: {  	_ =	shalt  }
0x86: {  	_ =	shalt  }
0x87: {  	_ =	shalt  }
.Lfunc_end0:
.L_simem_size_0:
called_computation.2_lowered:
.L_overlay_start_0:
0x88: {  	s2 =	sld [smem:$0x3FD9]  }
0x89: {  	s3 =	sld [smem:$0x3FFE];
	_ =	sdelay $0x1  }
0x8a: {  	s1 =	srdreg.scid  }
0x8b: {  	s0 =	sand.u32 $0x1, s1  }
0x8c: {  	s17 =	sshll.u32 s0, $0xA;
	s2 =	sadd.s32 s3, s2  }
0x8d: {  	s2 =	sadd.s32 s2, s17  }
0x8e: {  	[smem:$0x3FB0] =	sst s2  }
0x8f: {  	_ = 	snop  }
0x90: {  	s2 =	sld [smem:$0x3FD0];
	(tm) =	ssettm $0x1  }
0x91: {  	s18 =	sld [smem:$0x3FFB];
	_ =	sdelay $0x3  }
0x92: {  	_ =	strace s18  }
0x93: {  	s3 =	sld [smem:$0x3FFC];
	_ =	sdelay $0x3  }
0x94: {  	_ =	strace s3  }
0x95: {  	s3 =	sld [smem:$0x3FFD];
	_ =	sdelay $0x3  }
0x96: {  	_ =	strace s3  }
0x97: {  	_ =	strace $0x8FFFFFFF  }
0x98: {  	s19 =	sld [smem:$0x3FDB];
	_ =	sdelay $0x1  }
0x99: {  	s4 =	simm.s32 $_scs_section_size  }
0x9a: {  	s5 =	simm.s32 $_size__tile_overlayer_lowered;
	s6 =	simm.s32 $_tile_overlayer_lowered  }
0x9b: {  	s22 =	simm.s32 $0x1BFF;
	s21 =	sshll.u32 s6, $0x1;
	s3 =	sadd.s32 s4, s19  }
0x9c: {  	s7 =	simm.s32 $0x0;
	s20 =	sshll.u32 s5, $0x1;
	s5 =	sadd.s32 s21, s3  }
0x9d: {  	[timem:s7], [sflag:s22] =	dma.local [hbm:s5], s20  }
0x9e: {  	_ =	swait.ge [sflag:s22], s20  }
0x9f: {  	s4 =	ssub.s32 $0x0, s20;
	[sflag:s22] =	ssyncset.done $0x0  }
0xa0: {  	[sflag:s22] =	ssyncadd.s32 s4;
	_ =	sdelay $0x1  }
0xa1: {  	s23 =	simm.s32 $0x1B8B  }
0xa2: {  	_ =	swait.ge [sflag:s23], $0x1  }
0xa3: {  	[sflag:s23] =	ssyncset.done $0x0  }
0xa4: {  	s25 =	simm.s32 $0x1B8E;
	s24 =	sld [smem:$0x3FFE];
	[sflag:s23] =	ssyncadd.s32 $0xFFFFFFFF  }
0xa5: {  	s26 =	simm.s32 $execute0_lowered;
	[smem:$0x3FD2] =	sst s25  }
0xa6: {  	s5 =	sshll.u32 s26, $0x1;
	_ =	strace $0x8000004C;
	[dreg:$0x1] =	wrdreg $0xFFFFFFFF  }
0xa7: {  	s28 =	simm.s32 $_size_execute0_lowered;
	s3 =	sadd.s32 s3, s5;
	[dreg:$0x0] =	wrdreg $0x0  }
0xa8: {  	s5 =	sshll.u32 s28, $0x1;
	[dreg:$0x2] =	wrdreg s3  }
0xa9: {  	[dreg:$0x3] =	wrdreg s5  }
0xaa: {  	[dreg:$0x4] =	wrdreg $0xC0  }
0xab: {  	_ =	task [dreg:s7], $0x5FFFF  }
0xac: {  	[dreg:$0x1] =	wrdreg $0xFFFFFFFF  }
0xad: {  	[dreg:$0x0] =	wrdreg $0x60  }
0xae: {  	[dreg:$0x2] =	wrdreg s24  }
0xaf: {  	[dreg:$0x3] =	wrdreg s2  }
0xb0: {  	[dreg:$0x4] =	wrdreg $0x9  }
0xb1: {  	_ =	task.clear_ibuf [dreg:s7], $0x5FFFF;
	_ =	strace $0x9000004C  }
0xb2: {  	s29 =	simm.s32 $0x9;
	_ =	strace $0x8000004E  }
0xb3: {  	_ =	swait.ge [sflag:s29], $0x1  }
0xb4: {  	[sflag:s29] =	ssyncadd.s32 $0xFFFFFFFF  }
0xb5: {  	_ =	strace $0x9000004E  }
0xb6: {  	_ =	sfence  }
0xb7: {  	s30 =	sld [smem:$0x0];
	_ =	sdelay $0x2  }
0xb8: {  	s31 =	sshll.u32 s1, $0xD;
	s1 =	sshrl.u32 s1, $0x2  }
0xb9: {  	s3 =	sand.u32 $0x4000, s31;
	s1 =	sadd.s32 s1, s30  }
0xba: {  	s0 =	sor.u32 s3, s0;
	s1 =	sshll.u32 s1, $0x11  }
0xbb: {  	s0 =	sor.u32 s1, s0  }
0xbc: {  	s0 =	sadd.s32 $0x8F2B, s0  }
0xbd: {  	[sflag:s0] =	ssyncadd.remote.s32 $0x1  }
0xbe: {  	_ =	sfence.sel $0xFFFF  }
0xbf: {  	[dreg:$0x0] =	wrdreg $0xFFFFFFFF;
	(pc) =	sbr.abs _section_cstart, $3  }
0xc0: {  	[dreg:$0x1] =	wrdreg $0xFFFFFFFF  }
0xc1: {  	_ =	task.clear_ibuf [dreg:s7], $0x2FFFF;
	_ =	strace $0x9FFFFFFF  }
0xc2: {  	(tm) =	ssettm $0x7FFFFFFF  }
0xc3: {  	_ =	shalt  }
tec
execute0_lowered:
.L_overlay_start_1:
0x0: {  	(tag) =	ssettag $0x1  }
0x1: {  	s0 =	rddreg [dreg:$0x0]  }
0x2: {  	s1 =	rddreg [dreg:$0x1];
	s2 =	simm.s32 $0x0  }
0x3: {  	s3 =	srdreg.scid;
	s17 =	stileid.u32;
	s18 =	simm.s32 $0x1  }
0x4: {  	s19 =	simm.s32 $0x2800;
	s28 =	simm.s32 $0x1B880;
	s29 =	simm.s32 $0x1C080  }
0x5: {  	s30 =	simm.s32 $0x19080;
	s31 =	simm.s32 $0xF080;
	[smem:$0x7FF] =	sst s2  }
0x6: {  	s4 =	sadd.s32 $0x2FC00, s0;
	s5 =	sadd.s32 $0x2EE00, s0;
	s3 =	sand.u32 $0x1, s3  }
0x7: {  	s20 =	smul.u32 $0x14000, s17;
	s6 =	sadd.s32 $0x2F400, s0;
	s21 =	sadd.s32 $0x2FA00, s0  }
0x8: {  	s7 =	sadd.s32 $0x6E00, s0;
	_ =	strace $0x8000004D;
	[dreg:$0x3] =	wrdreg s5  }
0x9: {  	s23 =	sadd.s32 $0x39A00, s0;
	s0 =	sadd.s32 $0x61A00, s0;
	[dreg:$0x4] =	wrdreg s6  }
0xa: {  	[dreg:$0x5] =	wrdreg s21;
	s22 =	sshll.u32 s3, $0x9;
	s8 =	ssub.s32 $0x2, s3  }
0xb: {  	[dreg:$0x6] =	wrdreg s0;
	s3 =	sor.u32 s3, s17;
	s21 =	simm.s32 $0x80  }
0xc: {  	s0 =	simm.s32 $0x11880;
	s5 =	sor.u32 s22, s20;
	s9 =	sshrl.u32 s8, $0x1  }
0xd: {  	s22 =	simm.s32 $0x400;
	p0 =	sne.s32 s3, $0x0;
	s3 =	simm.s32 $0x14080  }
0xe: {  	s20 =	simm.s32 $0x16880;
	s5 =	sshrl.u32 s5, $0x3;
	s24 =	ssub.s32 s8, s9  }
0xf: {  	s25 =	sadd.s32 s7, s5;
	s26 =	sor.u32 $0x10, s5;
	s15 =	sor.u32 $0x20, s5  }
0x10: {  	s16 =	sor.u32 $0x30, s5;
	s13 =	sadd.s32 s23, s5;
	s17 =	smax.u32 s24, $0x1  }
0x11: {  	s24 =	simm.s32 $0x7880;
	s5 =	simm.s32 $0x0;
	[dreg:$0x7] =	wrdreg s25  }
0x12: {  	s10 =	sadd.s32 s7, s26;
	s11 =	sadd.s32 s7, s15;
	s12 =	sadd.s32 s7, s16  }
0x13: {  	s14 =	sadd.s32 s23, s26;
	s15 =	sadd.s32 s23, s15;
	s16 =	sadd.s32 s23, s16  }
0x14: {  	v0 =	vimm.f32 $0.0e+00;
	s23 =	simm.s32 $0x5080;
	s25 =	simm.s32 $0xA080;
	s26 =	simm.s32 $0xC880  }
.LBB2_1:
0x15: {  	s6 =	rddreg [dreg:$0x3]  }
0x16: {  	[tilespmem:s2], [sflag:$0x1] =	stream.linear.gather [hbm4b:s6+s2], $0x2800, $0x38;
	[tilespmem:$0x1C880] =	vst v63  }
0x17: {  	_ =	swait.ge [sflag:s18], $0x2800  }
0x18: {  	[sflag:s18] =	ssyncset.done $0x0  }
0x19: {  	s7 =	rddreg [dreg:$0x4];
	[sflag:s18] =	ssyncadd.s32 $0xFFFFD800  }
0x1a: {  	[tilespmem:s19], [sflag:$0x1] =	stream.linear.gather [hbm4b:s7+s2], $0x2800, $0x38;
	[tilespmem:$0x1C880] =	vst v63  }
0x1b: {  	_ =	swait.ge [sflag:s18], $0x2800  }
0x1c: {  	[sflag:s18] =	ssyncset.done $0x0  }
0x1d: {  	s7 =	simm.s32 $0x5000;
	s8 =	rddreg [dreg:$0x5];
	[sflag:s18] =	ssyncadd.s32 $0xFFFFD800  }
0x1e: {  	[tilespmem:s7], [sflag:$0x1] =	stream.linear.gather [hbm4b:s8+s2], $0x80, $0x38;
	[tilespmem:$0x1C880] =	vst v63  }
0x1f: {  	_ =	swait.ge [sflag:s18], $0x80  }
0x20: {  	[sflag:s18] =	ssyncset.done $0x0  }
0x21: {  	s9 =	rddreg [dreg:$0x7];
	[sflag:s18] =	ssyncadd.s32 $0xFFFFFF80  }
0x22: {  	[tilespmem:s23], [sflag:$0x1] =	stream.strided.gather [hbm4b:s9+s21], $0x2800, s22, s21, $0x38;
	[tilespmem:$0x1C880] =	vst v63  }
0x23: {  	_ =	swait.ge [sflag:s18], $0x2800  }
0x24: {  	[sflag:s18] =	ssyncset.done $0x0  }
0x25: {  	[sflag:s18] =	ssyncadd.s32 $0xFFFFD800  }
0x26: {  	[tilespmem:s24], [sflag:$0x1] =	stream.strided.gather [hbm4b:s10+s21], $0x2800, s22, s21, $0x38;
	[tilespmem:$0x1C880] =	vst v63  }
0x27: {  	_ =	swait.ge [sflag:s18], $0x2800  }
0x28: {  	[sflag:s18] =	ssyncset.done $0x0  }
0x29: {  	[sflag:s18] =	ssyncadd.s32 $0xFFFFD800  }
0x2a: {  	[tilespmem:s25], [sflag:$0x1] =	stream.strided.gather [hbm4b:s11+s21], $0x2800, s22, s21, $0x38;
	[tilespmem:$0x1C880] =	vst v63  }
0x2b: {  	_ =	swait.ge [sflag:s18], $0x2800  }
0x2c: {  	[sflag:s18] =	ssyncset.done $0x0  }
0x2d: {  	[sflag:s18] =	ssyncadd.s32 $0xFFFFD800  }
0x2e: {  	[tilespmem:s26], [sflag:$0x1] =	stream.strided.gather [hbm4b:s12+s21], $0x2800, s22, s21, $0x38;
	[tilespmem:$0x1C880] =	vst v63  }
0x2f: {  	_ =	swait.ge [sflag:s18], $0x2800  }
0x30: {  	[sflag:s18] =	ssyncset.done $0x0  }
0x31: {  	s6 =	simm.s32 $0x0;
	s7 =	simm.s32 $0x40;
	[sflag:s18] =	ssyncadd.s32 $0xFFFFD800  }
.LBB2_2:
0x32: {  	p1 =	sne.s32 s7, $0x9FC0;
	[tilespmem:s6+$0x19080] =	vst v0;
	s8 =	smov.u32 s7;
	s7 =	sadd.s32 $0x40, s7  }
.Ltmp0:
0x33: {  	[tilespmem:s6+$0x16880] =	vst v0;
	(pc) =	sbr.rel @p1 .LBB2_2-.Ltmp0, $4  }
0x34: {  	[tilespmem:s6+$0x14080] =	vst v0  }
0x35: {  	[tilespmem:s6+$0xF080] =	vst v0  }
0x36: {  	[tilespmem:s6+$0x11880] =	vst v0  }
0x37: {  	s6 =	sshra.s32 s8, $0x2  }
0x38: {  	[tilespmem:s6+$0x19080] =	vst v0  }
0x39: {  	[tilespmem:s6+$0x16880] =	vst v0  }
0x3a: {  	[tilespmem:s6+$0x14080] =	vst v0  }
0x3b: {  	[tilespmem:s6+$0xF080] =	vst v0  }
0x3c: {  	[tilespmem:s6+$0x11880] =	vst v0  }
0x3d: {  	s6 =	simm.s32 $0x0;
	s7 =	simm.s32 $0x0;
	v1 =	vld [tilespmem:$0x5000]  }
.LBB2_4:
0x3e: {  	s8 =	smul.u32 $0xFA, s7;
	_ =	sdelay $0x1  }
0x3f: {  	s9 =	sadd.s32 s4, s8  }
0x40: {  	[tilespmem:s28], [sflag:$0x1] =	stream.linear.gather [hbm4b:s9+s6], $0x7D0, $0x38;
	[tilespmem:$0x1C880] =	vst v63  }
0x41: {  	_ =	swait.ge [sflag:s18], $0x7D0  }
0x42: {  	[sflag:s18] =	ssyncset.done $0x0  }
0x43: {  	s8 =	sadd.s32 s1, s8;
	[sflag:s18] =	ssyncadd.s32 $0xFFFFF830  }
0x44: {  	[tilespmem:s29], [sflag:$0x1] =	stream.linear.gather [hbm4b:s8+s6], $0x7D0, $0x38;
	[tilespmem:$0x1C880] =	vst v63  }
0x45: {  	_ =	swait.ge [sflag:s18], $0x7D0  }
0x46: {  	[sflag:s18] =	ssyncset.done $0x0  }
0x47: {  	s9 =	simm.s32 $0x0;
	[sflag:s18] =	ssyncadd.s32 $0xFFFFF830  }
0x48: {  	v3 =	vld [tilespmem:s9+$0x1B880]  }
0x49: {  	v2 =	vld [tilespmem:s9+$0x1C080];
	_ =	sdelay $0x6  }
0x4a: {  	v4 =	vld.idx.msk [tilespmem:v3+s2+$0x0], $0xffff  }
0x4b: {  	v5 =	vld.idx.msk [tilespmem:v2+s19+$0x0], $0xffff;
	_ =	sdelay $0x4  }
0x4c: {  	v4 =	vadd.f32 v5, v4;
	_ =	sdelay $0x1  }
0x4d: {  	v5 =	vadd.f32 v5, v1;
	v6 =	vmul.f32 $2.000000030e-01, v4;
	_ =	sdelay $0x1  }
0x4e: {  	v5 =	vmax.f32 v5, $0.0e+00;
	v4 =	vmax.f32 v4, v6  }
0x4f: {  	v4 =	vsub.f32 v4, v5;
	_ =	sdelay $0x1  }
0x50: {  	v4 =	vmul.f32 $1.442695020e+00, v4;
	_ =	sdelay $0x1  }
0x51: {  	(erf) = vpow2.f32 v4;
	_ =	sdelay $0x8  }
0x52: {  	v4 =	vpop (erf)  }
0x53: {  	[tilespmem:v2+s30+$0x0] =	vst.idx.add.f32.msk $0xffff, v4  }
0x54: {  	v5 =	vld.idx.msk [tilespmem:v3+s23+$0x0], $0xffff;
	_ =	sdelay $0x4  }
0x55: {  	v5 =	vmul.f32 v4, v5;
	_ =	sdelay $0x1  }
0x56: {  	[tilespmem:v2+s31+$0x0] =	vst.idx.add.f32.msk $0xffff, v5  }
0x57: {  	v5 =	vld.idx.msk [tilespmem:v3+s24+$0x0], $0xffff;
	_ =	sdelay $0x4  }
0x58: {  	v5 =	vmul.f32 v4, v5;
	_ =	sdelay $0x1  }
0x59: {  	[tilespmem:v2+s0+$0x0] =	vst.idx.add.f32.msk $0xffff, v5  }
0x5a: {  	v5 =	vld.idx.msk [tilespmem:v3+s25+$0x0], $0xffff;
	_ =	sdelay $0x4  }
0x5b: {  	v5 =	vmul.f32 v4, v5;
	_ =	sdelay $0x1  }
0x5c: {  	[tilespmem:v2+s3+$0x0] =	vst.idx.add.f32.msk $0xffff, v5  }
0x5d: {  	v3 =	vld.idx.msk [tilespmem:v3+s26+$0x0], $0xffff;
	_ =	sdelay $0x4  }
0x5e: {  	s8 =	simm.s32 $0x40;
	v3 =	vmul.f32 v3, v4  }
.LBB2_5:
0x5f: {  	p1 =	sne.s32 s8, $0x1F00;
	s9 =	smov.u32 s8;
	s8 =	sadd.s32 $0x40, s8  }
0x60: {  	s9 =	sshra.s32 s9, $0x2;
	[tilespmem:v2+s20+$0x0] =	vst.idx.add.f32.msk $0xffff, v3  }
0x61: {  	v3 =	vld [tilespmem:s9+$0x1B880]  }
0x62: {  	v2 =	vld [tilespmem:s9+$0x1C080];
	_ =	sdelay $0x6  }
0x63: {  	v4 =	vld.idx.msk [tilespmem:v3+s2+$0x0], $0xffff  }
0x64: {  	v5 =	vld.idx.msk [tilespmem:v2+s19+$0x0], $0xffff;
	_ =	sdelay $0x5  }
0x65: {  	v4 =	vadd.f32 v5, v4;
	v5 =	vadd.f32 v5, v1;
	_ =	sdelay $0x1  }
0x66: {  	v6 =	vmul.f32 $2.000000030e-01, v4  }
0x67: {  	v5 =	vmax.f32 v5, $0.0e+00  }
0x68: {  	v4 =	vmax.f32 v4, v6  }
0x69: {  	v4 =	vsub.f32 v4, v5;
	_ =	sdelay $0x1  }
0x6a: {  	v4 =	vmul.f32 $1.442695020e+00, v4;
	_ =	sdelay $0x1  }
0x6b: {  	(erf) = vpow2.f32 v4;
	_ =	sdelay $0x8  }
0x6c: {  	v4 =	vpop (erf)  }
0x6d: {  	[tilespmem:v2+s30+$0x0] =	vst.idx.add.f32.msk $0xffff, v4  }
0x6e: {  	v5 =	vld.idx.msk [tilespmem:v3+s23+$0x0], $0xffff;
	_ =	sdelay $0x5  }
0x6f: {  	v5 =	vmul.f32 v4, v5;
	_ =	sdelay $0x1  }
0x70: {  	[tilespmem:v2+s31+$0x0] =	vst.idx.add.f32.msk $0xffff, v5  }
0x71: {  	v5 =	vld.idx.msk [tilespmem:v3+s24+$0x0], $0xffff;
	_ =	sdelay $0x5  }
0x72: {  	v5 =	vmul.f32 v4, v5;
	_ =	sdelay $0x1  }
0x73: {  	[tilespmem:v2+s0+$0x0] =	vst.idx.add.f32.msk $0xffff, v5  }
0x74: {  	v5 =	vld.idx.msk [tilespmem:v3+s25+$0x0], $0xffff;
	_ =	sdelay $0x5  }
0x75: {  	v5 =	vmul.f32 v4, v5;
	_ =	sdelay $0x1  }
0x76: {  	[tilespmem:v2+s3+$0x0] =	vst.idx.add.f32.msk $0xffff, v5  }
0x77: {  	v3 =	vld.idx.msk [tilespmem:v3+s26+$0x0], $0xffff;
	_ =	sdelay $0x1  }
.Ltmp1:
0x78: {  	(pc) =	sbr.rel @p1 .LBB2_5-.Ltmp1, $2  }
0x79: {  	_ =	sdelay $0x2  }
0x7a: {  	v3 =	vmul.f32 v3, v4  }
0x7b: {  	s7 =	sadd.s32 $0x1, s7  }
0x7c: {  	p1 =	sne.s32 s7, $0xA0  }
.Ltmp2:
0x7d: {  	_ = 	snop;
	(pc) =	sbr.rel @p1 .LBB2_4-.Ltmp2, $2  }
0x7e: {  	_ =	sdelay $0x2  }
0x7f: {  	[tilespmem:v2+s20+$0x0] =	vst.idx.add.f32.msk $0xffff, v3  }
0x80: {  	[hbm4b:s13+s21] =	stream.strided.scatter [tilespmem:s31], [sflag:$0x1], $0x2800, s22, s21, $0x38;
	[tilespmem:$0x1C880] =	vst v63  }
0x81: {  	_ =	swait.ge [sflag:s18], $0x2800  }
0x82: {  	[sflag:s18] =	ssyncset.done $0x0  }
0x83: {  	[sflag:s18] =	ssyncadd.s32 $0xFFFFD800  }
0x84: {  	[hbm4b:s14+s21] =	stream.strided.scatter [tilespmem:s0], [sflag:$0x1], $0x2800, s22, s21, $0x38;
	[tilespmem:$0x1C880] =	vst v63  }
0x85: {  	_ =	swait.ge [sflag:s18], $0x2800  }
0x86: {  	[sflag:s18] =	ssyncset.done $0x0  }
0x87: {  	[sflag:s18] =	ssyncadd.s32 $0xFFFFD800  }
0x88: {  	[hbm4b:s15+s21] =	stream.strided.scatter [tilespmem:s3], [sflag:$0x1], $0x2800, s22, s21, $0x38;
	[tilespmem:$0x1C880] =	vst v63  }
0x89: {  	_ =	swait.ge [sflag:s18], $0x2800  }
0x8a: {  	[sflag:s18] =	ssyncset.done $0x0  }
0x8b: {  	[sflag:s18] =	ssyncadd.s32 $0xFFFFD800  }
0x8c: {  	[hbm4b:s16+s21] =	stream.strided.scatter [tilespmem:s20], [sflag:$0x1], $0x2800, s22, s21, $0x38;
	[tilespmem:$0x1C880] =	vst v63  }
0x8d: {  	s6 =	simm.s32 @!p0 $0x0;
	_ =	swait.ge [sflag:s18], $0x2800  }
0x8e: {  	s7 =	simm.s32 @!p0 $0x19080;
	s5 =	sadd.s32 $0x1, s5;
	[sflag:s18] =	ssyncset.done $0x0  }
0x8f: {  	p1 =	sne.s32 s5, s17;
	s8 =	rddreg [dreg:$0x6];
	[sflag:s18] =	ssyncadd.s32 $0xFFFFD800  }
0x90: {  	[hbm4b:s8+s6] =	stream.linear.scatter @!p0 [tilespmem:s7], [sflag:$0x1], $0x2800, $0x38;
	[tilespmem:$0x1C880] =	vst v63  }
.Ltmp3:
0x91: {  	_ = 	snop;
	(pc) =	sbr.rel @p1 .LBB2_1-.Ltmp3, $4  }
0x92: {  	s6 =	simm.s32 @!p0 $0x1  }
0x93: {  	_ =	swait.ge @!p0 [sflag:s6], $0x2800  }
0x94: {  	[sflag:s6] =	ssyncset.done @!p0 $0x0  }
0x95: {  	[sflag:s6] =	ssyncadd.s32 @!p0 $0xFFFFD800  }
0x96: {  	_ =	sfence.sel $0x180000  }
0x97: {  	[bflag:$0x0] =	sbarrier.arrive $0xFFFF  }
0x98: {  	_ =	strace $0x9000004D  }
0x99: {  	s0 =	stileid.u32;
	[bflag:$0x2] =	sbarrier.arrive $0xFFFF  }
0x9a: {  	p0 =	sne.s32 s0, $0x0;
	s0 =	rddreg [dreg:$0x2]  }
0x9b: {  	s0 =	sadd.s32 @!p0 $0x100000, s0  }
0x9c: {  	[sflag:s0] =	ssyncadd.tile.s32 @!p0 $0x1;
	_ =	shalt  }
.Lfunc_end2:
_tile_overlayer_lowered:
.L_overlay_start_2:
0x9d: {  	(tag) =	ssettag $0x2  }
0x9e: {  	s0 =	rddreg [dreg:$0x0];
	s2 =	stileid.u32  }
0x9f: {  	s1 =	rddreg [dreg:$0x1];
	p0 =	sne.s32 s2, $0x0  }
0xa0: {  	s3 =	rddreg [dreg:$0x2];
	[bflag:$0x3] =	sbarrier.arrive $0xFFFF;
	s2 =	simm.s32 @!p0 $0x1C01  }
0xa1: {  	[timem:s3], [sflag:s2] =	dma.local @!p0 [hbm:s0], s1  }
0xa2: {  	s0 =	simm.s32 @!p0 $0x1  }
0xa3: {  	_ =	swait.ge @!p0 [sflag:s0], s1  }
0xa4: {  	s1 =	ssub.s32 @!p0 $0x0, s1;
	[sflag:s0] =	ssyncset.done @!p0 $0x0  }
0xa5: {  	[sflag:s0] =	ssyncadd.s32 @!p0 s1  }
0xa6: {  	[bflag:$0x3] =	sbarrier.arrive $0xFFFF  }
0xa7: {  	_ =	shalt  }

</sc_bundles>
